<compile_context>
chip_gen: v7x
topology: tpu7x:2x2x1
jax: 0.10.2.dev20260603
libtpu: 0.0.44.dev20260713+nightly
codegen_flags: <defaults>
</compile_context>

<pallas_src>
import jax, jax.numpy as jnp
from jax.experimental import pallas as pl

def _noop(x_ref, o_ref):
    o_ref[...] = x_ref[...]

def kernel(x, edge_index, W1, b1, W2, b2, Wl, bl):
    N = x.shape[0]
    loop = jnp.arange(N, dtype=edge_index.dtype)
    src = jnp.concatenate([edge_index[0], loop])
    dst = jnp.concatenate([edge_index[1], loop])
    def conv(h, W, b):
        hw = h @ W
        deg = jax.ops.segment_sum(jnp.ones(src.shape[0], jnp.float32), dst, num_segments=N)
        dis = jnp.where(deg > 0, 1.0 / jnp.sqrt(deg), 0.0)
        norm = dis[src] * dis[dst]
        return jax.ops.segment_sum(hw[src] * norm[:, None], dst, num_segments=N) + b
    h = jax.nn.relu(conv(x, W1, b1))
    h = jax.nn.relu(conv(h, W2, b2))
    pooled = h.mean(axis=0)
    out = pooled @ Wl + bl
    return pl.pallas_call(_noop, out_shape=jax.ShapeDtypeStruct((1,), jnp.float32))(out)

# --- scband reference (transcript-rebuilt; emitter-appended) ---
"""Pipeline reference for scband-seebeck-gnn-687194767890 (READ-ONLY COPY).

The authoritative reference and input builder live on the scoring server;
editing this copy changes nothing except your own understanding.
"""

import jax, jax.numpy as jnp
import numpy as np

N_NODES = 100000
N_EDGES = 6400000

def setup_inputs(seed: int = 0) -> dict:
    key = jax.random.key(seed)
    ks = jax.random.split(key, 8)
    x = jax.random.normal(ks[0], (N_NODES, 2), dtype=jnp.float32)
    edge_index = jax.random.randint(ks[1], (2, N_EDGES), 0, N_NODES, dtype=jnp.int64)
    W1 = jax.random.normal(ks[2], (2, 64), dtype=jnp.float32) * (1.0 / np.sqrt(2))
    b1 = jnp.zeros((64,), dtype=jnp.float32)
    W2 = jax.random.normal(ks[3], (64, 64), dtype=jnp.float32) * (1.0 / np.sqrt(64))
    b2 = jnp.zeros((64,), dtype=jnp.float32)
    Wl = jax.random.normal(ks[4], (64, 1), dtype=jnp.float32) * (1.0 / np.sqrt(64))
    bl = jnp.zeros((1,), dtype=jnp.float32)
    return {"x": x, "edge_index": edge_index, "W1": W1, "b1": b1, "W2": W2, "b2": b2, "Wl": Wl, "bl": bl}

def _gcn_conv(x, edge_index, W, b):
    # PyG GCNConv: add self-loops, symmetric normalization, x @ W, scatter-add
    N = x.shape[0]
    loop = jnp.arange(N, dtype=edge_index.dtype)
    src = jnp.concatenate([edge_index[0], loop])
    dst = jnp.concatenate([edge_index[1], loop])
    xw = x @ W
    deg = jax.ops.segment_sum(jnp.ones(src.shape[0], dtype=jnp.float32), dst, num_segments=N)
    deg_inv_sqrt = jnp.where(deg > 0, 1.0 / jnp.sqrt(deg), 0.0)
    norm = deg_inv_sqrt[src] * deg_inv_sqrt[dst]
    msgs = xw[src] * norm[:, None]
    out = jax.ops.segment_sum(msgs, dst, num_segments=N)
    return out + b

def reference(x, edge_index, W1, b1, W2, b2, Wl, bl):
    h = jax.nn.relu(_gcn_conv(x, edge_index, W1, b1))
    h = jax.nn.relu(_gcn_conv(h, edge_index, W2, b2))
    pooled = h.mean(axis=0)
    return pooled @ Wl + bl

if __name__ == "__main__":
    import jax
    _d = setup_inputs()
    print(jax.jit(kernel)(*tuple(_d.values())))

</pallas_src>

<mosaic_0001>
module attributes {stable_mosaic.version = 14 : i64} {
  func.func @_noop(%arg0: memref<1xf32, #tpu.memory_space<vmem>>, %arg1: memref<1xf32, #tpu.memory_space<vmem>>) attributes {dimension_semantics = [], scalar_prefetch = 0 : i64, scratch_operands = 0 : i64, tpu.core_type = #tpu.core_type<tc>} {
    %get3A = arith.constant 0 : index
    %get3A_0 = vector.load %arg0[%get3A] : memref<1xf32, #tpu.memory_space<vmem>>, vector<1xf32>
    %swap3A = arith.constant 0 : index
    %swap3A_1 = vector.load %arg1[%swap3A] : memref<1xf32, #tpu.memory_space<vmem>>, vector<1xf32>
    tpu.vector_store %arg1[%swap3A], %get3A_0 {strides = array<i32>} : memref<1xf32, #tpu.memory_space<vmem>>, vector<1xf32>,
    return
  }
}

</mosaic_0001>

<sc_bundles>
// kernel: scatter_offload_async_start.1
scs
__scs_entry_jumppad:
0x0: {  	(pc) =	sbr.rel $0x88, $3  }
0x1: {  	(tag) =	ssettag $0x0;
	lr =	simm.s32 $0x1  }
0x2: {  	[smem:$0x3F99] =	sst lr;
	_ =	strace $0xD0000000  }
0x3: {  	_ = 	snop  }
0x4: {  	_ = 	snop  }
0x5: {  	_ = 	snop  }
0x6: {  	_ = 	snop  }
0x7: {  	_ = 	snop  }
__scs_overlays_trampoline_lowered:
0x8: {  	[smem:$0x3FA8] =	sst s0  }
0x9: {  	[smem:$0x3FA9] =	sst s1  }
0xa: {  	[smem:$0x3FAA] =	sst s2  }
0xb: {  	[smem:$0x3FAB] =	sst s3  }
0xc: {  	[smem:$0x3FAC] =	sst s4  }
0xd: {  	[smem:$0x3FAD] =	sst s5  }
0xe: {  	[smem:$0x3FAE] =	sst s6  }
0xf: {  	[smem:$0x3FAF] =	sst s7  }
0x10: {  	[smem:$0x3FB0] =	sst s8  }
0x11: {  	[smem:$0x3FB1] =	sst s9;
	s0 =	simm.s32 @!p0 $0x0  }
0x12: {  	s1 =	sld [smem:$0x3F97];
	s0 =	simm.s32 @p0 $0x1  }
0x13: {  	[smem:$0x3FB2] =	sst s0;
	s0 =	simm.s32 @!p1 $0x0  }
0x14: {  	s2 =	sld [smem:$0x3F96];
	s0 =	simm.s32 @p1 $0x1  }
0x15: {  	[smem:$0x3FB3] =	sst s0;
	s0 =	simm.s32 @!p2 $0x0  }
0x16: {  	s3 =	sld [smem:$0x3FDB];
	s0 =	simm.s32 @p2 $0x1  }
0x17: {  	s4 =	simm.s32 $0x1BF5;
	[smem:$0x3FB5] =	sst s0  }
0x18: {  	s0 =	sld [smem:$0x3F98];
	_ =	swait.ge [sflag:s4], $0x0  }
0x19: {  	s7 =	sld [smem:$0x3F99]  }
0x1a: {  	s8 =	sadd.s32 $0xFFFFE003, lr  }
0x1b: {  	s9 =	sadd.s32 $0xFFFFFEF7, lr;
	s5 =	simm.s32 $0xFFFFFFFF;
	p2 =	slt.u32 s8, $0xFFFFF086  }
0x1c: {  	p1 =	slt.u32 s9, $0xF7A;
	s5 =	simm.s32 @!p2 $0x0  }
0x1d: {  	s5 =	simm.s32 @p1 $0x1;
	p0 =	seq.s32 s7, s2  }
0x1e: {  	s7 =	smul.u32 @!p0 $0xF7A, s2;
	p2 =	seq.s32 @!p0 s5, $0x0  }
0x1f: {  	s9 =	smul.u32 $0xF7A, s1;
	s8 =	simm.s32 @!p0 $0x1BF5;
	p2 =	por !p2, p0  }
0x20: {  	[sflag:s8] =	ssyncset.s32 @!p0 $0xFFFFF086;
	s6 =	sadd.s32 @!p0 s3, s7;
	s7 =	simm.s32 @!p0 $0x108  }
0x21: {  	s3 =	sadd.s32 s3, s9;
	s6 =	sadd.s32 @!p0 $0x88, s6;
	s7 =	simm.s32 @p2 $0x1082  }
0x22: {  	[simem:s7], [sflag:s8] =	dma.local @!p0 [hbm:s6], $0xF7A  }
0x23: {  	s9 =	sor.u32 $0xD0000000, s2;
	s6 =	simm.s32 $0x108;
	_ =	swait.ge @!p0 [sflag:s8], $0x0  }
0x24: {  	s3 =	sadd.s32 $0x88, s3;
	s6 =	simm.s32 @!p1 $0x1082;
	[sflag:s4] =	ssyncset.s32 $0xFFFFF086  }
0x25: {  	[simem:s6], [sflag:s4] =	dma.local [hbm:s3], $0xF7A  }
0x26: {  	[smem:$0x3F99] =	sst s1;
	(tag) =	ssettag s2;
	_ =	strace s9  }
0x27: {  	s1 =	sld [smem:$0x3FA9]  }
0x28: {  	s2 =	sld [smem:$0x3FAA]  }
0x29: {  	s4 =	sld [smem:$0x3FAC]  }
0x2a: {  	p0 =	seq.s32 s5, $0x0;
	s5 =	sld [smem:$0x3FAD]  }
0x2b: {  	s6 =	sld [smem:$0x3FAE]  }
0x2c: {  	s7 =	sld [smem:$0x3FAF]  }
0x2d: {  	s3 =	simm.s32 $0x108;
	s8 =	sld [smem:$0x3FB0]  }
0x2e: {  	s3 =	simm.s32 @!p0 $0x1082;
	s9 =	sld [smem:$0x3FB1]  }
0x2f: {  	lr =	sadd.s32 s0, s3;
	s0 =	sld [smem:$0x3FA8]  }
0x30: {  	s3 =	sld [smem:$0x3FAB]  }
0x31: {  	[smem:$0x3FB4] =	sst s10  }
0x32: {  	s10 =	sld [smem:$0x3FB2];
	_ =	sdelay $0x3  }
0x33: {  	p0 =	seq.s32 s10, $0x1;
	s10 =	sld [smem:$0x3FB4];
	_ =	sdelay $0x3  }
0x34: {  	[smem:$0x3FB4] =	sst s10  }
0x35: {  	s10 =	sld [smem:$0x3FB3];
	_ =	sdelay $0x3  }
0x36: {  	p1 =	seq.s32 s10, $0x1;
	s10 =	sld [smem:$0x3FB4];
	_ =	sdelay $0x3  }
0x37: {  	[smem:$0x3FB4] =	sst s10  }
0x38: {  	s10 =	sld [smem:$0x3FB5]  }
0x39: {  	_ = 	snop;
	(pc) =	sbr.ind lr, $3  }
0x3a: {  	_ = 	snop  }
0x3b: {  	_ = 	snop  }
0x3c: {  	p2 =	seq.s32 s10, $0x1;
	s10 =	sld [smem:$0x3FB4]  }
0x3d: {  	_ =	shalt  }
0x3e: {  	_ =	shalt  }
0x3f: {  	_ =	shalt  }
0x40: {  	_ =	shalt  }
0x41: {  	_ =	shalt  }
0x42: {  	_ =	shalt  }
0x43: {  	_ =	shalt  }
0x44: {  	_ =	shalt  }
0x45: {  	_ =	shalt  }
0x46: {  	_ =	shalt  }
0x47: {  	_ =	shalt  }
0x48: {  	_ =	shalt  }
0x49: {  	_ =	shalt  }
0x4a: {  	_ =	shalt  }
0x4b: {  	_ =	shalt  }
0x4c: {  	_ =	shalt  }
0x4d: {  	_ =	shalt  }
0x4e: {  	_ =	shalt  }
0x4f: {  	_ =	shalt  }
0x50: {  	_ =	shalt  }
0x51: {  	_ =	shalt  }
0x52: {  	_ =	shalt  }
0x53: {  	_ =	shalt  }
0x54: {  	_ =	shalt  }
0x55: {  	_ =	shalt  }
0x56: {  	_ =	shalt  }
0x57: {  	_ =	shalt  }
0x58: {  	_ =	shalt  }
0x59: {  	_ =	shalt  }
0x5a: {  	_ =	shalt  }
0x5b: {  	_ =	shalt  }
0x5c: {  	_ =	shalt  }
0x5d: {  	_ =	shalt  }
0x5e: {  	_ =	shalt  }
0x5f: {  	_ =	shalt  }
0x60: {  	_ =	shalt  }
0x61: {  	_ =	shalt  }
0x62: {  	_ =	shalt  }
0x63: {  	_ =	shalt  }
0x64: {  	_ =	shalt  }
0x65: {  	_ =	shalt  }
0x66: {  	_ =	shalt  }
0x67: {  	_ =	shalt  }
0x68: {  	_ =	shalt  }
0x69: {  	_ =	shalt  }
0x6a: {  	_ =	shalt  }
0x6b: {  	_ =	shalt  }
0x6c: {  	_ =	shalt  }
0x6d: {  	_ =	shalt  }
0x6e: {  	_ =	shalt  }
0x6f: {  	_ =	shalt  }
0x70: {  	_ =	shalt  }
0x71: {  	_ =	shalt  }
0x72: {  	_ =	shalt  }
0x73: {  	_ =	shalt  }
0x74: {  	_ =	shalt  }
0x75: {  	_ =	shalt  }
0x76: {  	_ =	shalt  }
0x77: {  	_ =	shalt  }
0x78: {  	_ =	shalt  }
0x79: {  	_ =	shalt  }
0x7a: {  	_ =	shalt  }
0x7b: {  	_ =	shalt  }
0x7c: {  	_ =	shalt  }
0x7d: {  	_ =	shalt  }
0x7e: {  	_ =	shalt  }
0x7f: {  	_ =	shalt  }
0x80: {  	_ =	shalt  }
0x81: {  	_ =	shalt  }
0x82: {  	_ =	shalt  }
0x83: {  	_ =	shalt  }
0x84: {  	_ =	shalt  }
0x85: {  	_ =	shalt  }
0x86: {  	_ =	shalt  }
0x87: {  	_ =	shalt  }
.Lfunc_end0:
.L_simem_size_0:
called_computation.1_lowered:
.L_overlay_start_0:
0x88: {  	s2 =	sld [smem:$0x3FD9]  }
0x89: {  	s3 =	sld [smem:$0x3FFE];
	_ =	sdelay $0x1  }
0x8a: {  	s1 =	srdreg.scid  }
0x8b: {  	s0 =	sand.u32 $0x1, s1  }
0x8c: {  	s15 =	sshll.u32 s0, $0xA;
	s2 =	sadd.s32 s3, s2  }
0x8d: {  	s2 =	sadd.s32 s2, s15  }
0x8e: {  	[smem:$0x3FC0] =	sst s2  }
0x8f: {  	_ = 	snop  }
0x90: {  	(tm) =	ssettm $0x1  }
0x91: {  	s16 =	sld [smem:$0x3FFB];
	_ =	sdelay $0x3  }
0x92: {  	_ =	strace s16  }
0x93: {  	s2 =	sld [smem:$0x3FFC];
	_ =	sdelay $0x3  }
0x94: {  	_ =	strace s2  }
0x95: {  	s2 =	sld [smem:$0x3FFD];
	_ =	sdelay $0x3  }
0x96: {  	_ =	strace s2  }
0x97: {  	_ =	strace $0x8FFFFFFF  }
0x98: {  	s17 =	sld [smem:$0x3FDB];
	_ =	sdelay $0x1  }
0x99: {  	s18 =	simm.s32 $_scs_section_size  }
0x9a: {  	s4 =	simm.s32 $_size__tile_overlayer_lowered;
	s5 =	simm.s32 $_tile_overlayer_lowered  }
0x9b: {  	s21 =	simm.s32 $0x1BFF;
	s20 =	sshll.u32 s5, $0x1;
	s2 =	sadd.s32 s18, s17  }
0x9c: {  	s6 =	simm.s32 $0x0;
	s19 =	sshll.u32 s4, $0x1;
	s4 =	sadd.s32 s20, s2  }
0x9d: {  	[timem:s6], [sflag:s21] =	dma.local [hbm:s4], s19  }
0x9e: {  	_ =	swait.ge [sflag:s21], s19  }
0x9f: {  	s3 =	ssub.s32 $0x0, s19;
	[sflag:s21] =	ssyncset.done $0x0  }
0xa0: {  	[sflag:s21] =	ssyncadd.s32 s3;
	_ =	sdelay $0x1  }
0xa1: {  	s22 =	simm.s32 $0x1B8B  }
0xa2: {  	_ =	swait.ge [sflag:s22], $0x1  }
0xa3: {  	[sflag:s22] =	ssyncset.done $0x0  }
0xa4: {  	s23 =	sld [smem:$0x3FFE];
	[sflag:s22] =	ssyncadd.s32 $0xFFFFFFFF  }
0xa5: {  	s25 =	simm.s32 $0x1B8E;
	s24 =	sld [smem:$0x0]  }
0xa6: {  	s26 =	simm.s32 $execute0_lowered;
	[smem:$0x3FD2] =	sst s25  }
0xa7: {  	s5 =	sshll.u32 s26, $0x1;
	_ =	strace $0x80000049;
	[dreg:$0x1] =	wrdreg $0xFFFFFFFF  }
0xa8: {  	s28 =	simm.s32 $_size_execute0_lowered;
	s2 =	sadd.s32 s2, s5;
	[dreg:$0x0] =	wrdreg $0x0  }
0xa9: {  	s5 =	sshll.u32 s28, $0x1;
	[dreg:$0x2] =	wrdreg s2  }
0xaa: {  	[dreg:$0x3] =	wrdreg s5  }
0xab: {  	[dreg:$0x4] =	wrdreg $0xC0  }
0xac: {  	_ =	task [dreg:s6], $0x5FFFF  }
0xad: {  	[dreg:$0x1] =	wrdreg $0xFFFFFFFF  }
0xae: {  	[dreg:$0x0] =	wrdreg $0x60  }
0xaf: {  	[dreg:$0x2] =	wrdreg s23  }
0xb0: {  	[dreg:$0x3] =	wrdreg s1  }
0xb1: {  	[dreg:$0x4] =	wrdreg s24  }
0xb2: {  	[dreg:$0x5] =	wrdreg $0x9  }
0xb3: {  	_ =	task.clear_ibuf [dreg:s6], $0x6FFFF;
	_ =	strace $0x90000049  }
0xb4: {  	s29 =	simm.s32 $0x9;
	_ =	strace $0x8000004B  }
0xb5: {  	_ =	swait.ge [sflag:s29], $0x1  }
0xb6: {  	[sflag:s29] =	ssyncadd.s32 $0xFFFFFFFF  }
0xb7: {  	_ =	strace $0x9000004B  }
0xb8: {  	_ =	sfence  }
0xb9: {  	s30 =	sld [smem:$0x0];
	_ =	sdelay $0x2  }
0xba: {  	s31 =	sshll.u32 s1, $0xD;
	s1 =	sshrl.u32 s1, $0x2  }
0xbb: {  	s3 =	sand.u32 $0x4000, s31;
	s1 =	sadd.s32 s1, s30  }
0xbc: {  	s0 =	sor.u32 s3, s0;
	s1 =	sshll.u32 s1, $0x11  }
0xbd: {  	s0 =	sor.u32 s1, s0  }
0xbe: {  	s0 =	sadd.s32 $0x8F2B, s0  }
0xbf: {  	[sflag:s0] =	ssyncadd.remote.s32 $0x1  }
0xc0: {  	_ =	sfence.sel $0xFFFF  }
0xc1: {  	[dreg:$0x0] =	wrdreg $0xFFFFFFFF;
	(pc) =	sbr.abs _section_cstart, $3  }
0xc2: {  	[dreg:$0x1] =	wrdreg $0xFFFFFFFF  }
0xc3: {  	_ =	task.clear_ibuf [dreg:s6], $0x2FFFF;
	_ =	strace $0x9FFFFFFF  }
0xc4: {  	(tm) =	ssettm $0x7FFFFFFF  }
0xc5: {  	_ =	shalt  }
tec
execute0_lowered:
.L_overlay_start_1:
0x0: {  	(tag) =	ssettag $0x1  }
0x1: {  	s2 =	rddreg [dreg:$0x0]  }
0x2: {  	s3 =	rddreg [dreg:$0x1];
	_ =	strace $0x8000004A;
	s0 =	simm.s32 $0x1  }
0x3: {  	s4 =	simm.s32 $0x88;
	v0 =	vimm.s32 $0x0;
	[sflag:s0] =	ssyncpa.u1 $0x0  }
0x4: {  	s1 =	sadd.s32 $0x563A00, s2;
	[tilespmem:s4+$0x30] =	vst v0  }
0x5: {  	s0 =	sadd.s32 $0x49D400, s2;
	s6 =	sadd.s32 $0x6EA400, s2;
	[tilespmem:s4+$0x20] =	vst v0  }
0x6: {  	s14 =	sadd.s32 $0x3D6E00, s2;
	s9 =	sand.u32 $0x1, s3;
	s2 =	simm.s32 $0x40;
	[tilespmem:s4+$0x10] =	vst v0  }
.LBB2_1:
0x7: {  	s2 =	sadd.s32 $0x40, s2  }
0x8: {  	[tilespmem:s4+$0x0] =	vst v0;
	s4 =	sadd.s32 $0x40, s4;
	p0 =	slt.u32 s2, $0x5040  }
.Ltmp0:
0x9: {  	(pc) =	sbr.rel @p0 .LBB2_1-.Ltmp0, $4  }
0xa: {  	_ = 	snop  }
0xb: {  	[tilespmem:s4+$0x30] =	vst v0  }
0xc: {  	[tilespmem:s4+$0x20] =	vst v0  }
0xd: {  	[tilespmem:s4+$0x10] =	vst v0  }
0xe: {  	s10 =	stileid.u32  }
0xf: {  	s2 =	smul.u32 $0x27A, s10  }
0x10: {  	s3 =	smin.u32 s10, $0xD  }
0x11: {  	s2 =	sadd.s32 s3, s2  }
0x12: {  	p0 =	slt.u32 s10, $0xD;
	s7 =	smul.u32 $0x140, s2;
	s2 =	simm.s32 $0x319C0  }
0x13: {  	s2 =	simm.s32 @!p0 $0x31880  }
0x14: {  	s2 =	sadd.s32 s2, s7  }
0x15: {  	s8 =	smin.u32 s2, $0x319750  }
0x16: {  	s2 =	ssub.s32 s8, s7  }
0x17: {  	s26 =	simm.s32 $0x2;
	s29 =	simm.s32 $0x9;
	p0 =	sgt.s32 s2, $0x0  }
0x18: {  	s30 =	simm.s32 $0xA;
	s31 =	smul.u32 $0x632EA, s9;
	s2 =	simm.s32 @!p0 $0x0  }
0x19: {  	s11 =	simm.s32 $0xB;
	[dreg:$0x4] =	wrdreg s9;
	s28 =	smulhi.u32 $0x66666667, s2  }
0x1a: {  	s12 =	simm.s32 $0x1;
	s18 =	simm.s32 $0x0;
	p1 =	por $0x0, $0x0  }
0x1b: {  	s19 =	simm.s32 $0xC;
	s23 =	simm.s32 $0x0;
	s3 =	sshrl.u32 s28, $0x7  }
0x1c: {  	s20 =	simm.s32 $0x0;
	s22 =	simm.s32 $0x0;
	s5 =	smul.u32 $0x140, s3  }
.Ltmp1:
0x1d: {  	[tilespmem:s4+$0x0] =	vst v0;
	v0 =	vimm.s32 $0xFFFFFFFF;
	[sflag:s26] =	ssyncpa.u1 $0x0;
	s16 =	sshll.u32 s10, $0x7;
	(pc) =	sbr.rel .LBB2_3-.Ltmp1, $4  }
0x1e: {  	[tilespmem:$0xA108] =	vst v0;
	[sflag:s29] =	ssyncpa.u1 $0x0;
	p0 =	sne.s32 s2, s5;
	s2 =	simm.s32 $0x1  }
0x1f: {  	s14 =	sadd.s32 s31, s14;
	[sflag:s30] =	ssyncpa.u1 $0x0;
	s2 =	simm.s32 @!p0 $0x0  }
0x20: {  	s15 =	sadd.s32 s31, s0;
	[sflag:s11] =	ssyncpa.u1 $0x0;
	s13 =	sadd.s32 s2, s3  }
0x21: {  	v0 =	vlaneseq.u32;
	s21 =	smov.u32 s7;
	p0 =	por $0x1, $0x1;
	s17 =	sadd.s32 $0x1, s13  }
.LBB2_24:
0x22: {  	s0 =	sshrl.u32 s0, $0x2  }
.LBB2_26:
0x23: {  	_ =	swait.ge [sflag:s19], s0  }
0x24: {  	s30 =	ssub.s32 $0x0, s0;
	v1 =	vmov s25;
	vm0 =	veq.s32 v0, $0x0;
	[sflag:s19] =	ssyncset.done $0x0  }
0x25: {  	vm15 =	veq.s32 v0, $0x2;
	v1 =	vsel vm0, s31, v1;
	[sflag:s19] =	ssyncadd.s32 s30  }
0x26: {  	v1 =	vsel vm15, s23, v1;
	[sflag:s19] =	ssyncpa.u1 $0x1  }
0x27: {  	[tilespmem:$0xA108] =	vst v1  }
.LBB2_27:
0x28: {  	s0 =	sadd.s32 $0x140, s21  }
0x29: {  	s2 =	smov.u32 s7;
	p2 =	slt.s32 s0, s8  }
0x2a: {  	s2 =	smov.u32 @p2 s0;
	p2 =	sne.s32 s22, s17  }
.Ltmp2:
0x2b: {  	_ = 	snop;
	(pc) =	sbr.rel @!p2 .LBB2_28-.Ltmp2, $4  }
0x2c: {  	_ = 	snop  }
0x2d: {  	s23 =	smov.u32 s20  }
0x2e: {  	s31 =	sadd.s32 $0x1, s22;
	s20 =	smov.u32 s21;
	p0 =	por !p0, !p0  }
0x2f: {  	p1 =	por !p1, !p1;
	s22 =	smov.u32 s31;
	s21 =	smov.u32 s2  }
.LBB2_3:
0x30: {  	p2 =	sge.u32 s22, s13  }
0x31: {  	s0 =	smulhi.u32 @!p2 $0xAAAAAAAB, s22  }
0x32: {  	s2 =	smov.u32 s21;
	p3 =	sgt.s32 @!p2 s21, $0x319610  }
0x33: {  	s3 =	sshra.s32 @!p2 s21, $0x1F;
	p3 =	por !p3, p2;
	s0 =	sshrl.u32 @!p2 s0, $0x1  }
0x34: {  	s3 =	sand.u32 @!p2 s3, s21;
	s2 =	simm.s32 @p3 $0x319610;
	s0 =	smul.u32 @!p2 $0x3, s0  }
0x35: {  	s2 =	ssub.s32 @!p2 s2, s3  }
0x36: {  	s2 =	sadd.s32 @!p2 $0xFFCE69F0, s2;
	s0 =	ssub.s32 @!p2 s22, s0  }
0x37: {  	s3 =	sshll.u32 @!p2 s2, $0x2;
	p3 =	sgt.s32 @!p2 s2, $0x13F;
	s0 =	smul.u32 @!p2 $0x500, s0  }
0x38: {  	s4 =	sand.u32 @!p2 $0x7, s21;
	s2 =	ssub.s32 @!p2 $0x500, s3;
	p3 =	por !p3, p2  }
0x39: {  	s3 =	sshrl.u32 @!p2 s21, $0x3;
	s2 =	sshrl.u32 @!p2 s2, $0x2;
	s0 =	sshrl.u32 @!p2 s0, $0x2  }
0x3a: {  	s3 =	sadd.s32 @!p2 s3, s14;
	s2 =	simm.s32 @!p3 $0x0;
	s0 =	sadd.s32 @!p2 $0xA948, s0  }
0x3b: {  	[tilespmem:s0], [sflag:$0xA] =	stream.linear.gather @!p2 [hbm4b:s3+s4], s2, $0x38;
	[tilespmem:$0x1EF88] =	vst v63  }
0x3c: {  	s4 =	sadd.s32 $0xFFFFFFFF, s22  }
0x3d: {  	p2 =	sge.u32 s4, s13  }
0x3e: {  	p3 =	sgt.s32 @!p2 s20, $0x319610  }
0x3f: {  	s0 =	smov.u32 s20;
	s2 =	sshra.s32 @!p2 s20, $0x1F;
	p3 =	por !p3, p2  }
0x40: {  	s2 =	sand.u32 @!p2 s2, s20;
	s0 =	simm.s32 @p3 $0x319610  }
0x41: {  	s0 =	ssub.s32 @!p2 s0, s2  }
0x42: {  	s0 =	sadd.s32 @!p2 $0xFFCE69F0, s0  }
0x43: {  	s2 =	sshll.u32 @!p2 s0, $0x2  }
0x44: {  	p3 =	sgt.s32 @!p2 s0, $0x13F;
	s0 =	ssub.s32 @!p2 $0x500, s2  }
0x45: {  	p3 =	por !p3, p2;
	s0 =	sshrl.u32 @!p2 s0, $0x2  }
0x46: {  	s3 =	simm.s32 @!p2 $0xA;
	s2 =	sand.u32 @!p2 $0x1, s4;
	s0 =	simm.s32 @!p3 $0x0  }
0x47: {  	s2 =	smul.u32 @!p2 $0x500, s2;
	_ =	swait.ge @!p2 [sflag:s3], s0  }
0x48: {  	s5 =	ssub.s32 @!p2 $0x0, s0;
	[sflag:s3] =	ssyncset.done @!p2 $0x0  }
0x49: {  	s2 =	sshrl.u32 @!p2 s2, $0x2;
	[sflag:s3] =	ssyncadd.s32 @!p2 s5;
	s3 =	sshrl.u32 @!p2 s20, $0x3  }
0x4a: {  	s2 =	sadd.s32 @!p2 $0xAD08, s2;
	s5 =	sand.u32 @!p2 $0x7, s20;
	s3 =	sadd.s32 @!p2 s3, s15  }
0x4b: {  	[tilespmem:s2], [sflag:$0xB] =	stream.linear.gather @!p2 [hbm4b:s3+s5], s0, $0x38;
	[tilespmem:$0x1EF88] =	vst v63  }
0x4c: {  	s0 =	ssub.s32 @!p2 $0x319750, s20  }
0x4d: {  	p3 =	slt.s32 @!p2 s0, $0x1  }
0x4e: {  	p3 =	por p2, p3  }
.Ltmp3:
0x4f: {  	_ = 	snop;
	(pc) =	sbr.rel @p3 .LBB2_9-.Ltmp3, $1  }
0x50: {  	_ =	sdelay $0x3  }
0x51: {  	s2 =	smulhi.u32 $0xAAAAAAAB, s4;
	_ =	sdelay $0x1  }
0x52: {  	s2 =	sshrl.u32 s2, $0x1  }
0x53: {  	s2 =	smul.u32 $0x3, s2;
	_ =	sdelay $0x1  }
0x54: {  	s2 =	ssub.s32 s4, s2  }
0x55: {  	s3 =	simm.s32 $0x1;
	s2 =	smul.u32 $0x500, s2  }
.Ltmp4:
0x56: {  	s3 =	simm.s32 @!p0 $0x0;
	(pc) =	sbr.rel .LBB2_6-.Ltmp4, $4  }
0x57: {  	s3 =	smul.u32 $0x28000, s3  }
0x58: {  	p3 =	slt.s32 @!p2 s0, $0x140;
	s2 =	sshrl.u32 s2, $0x2  }
0x59: {  	p2 =	por !p3, p2;
	s3 =	sshrl.u32 s3, $0x2;
	s2 =	sadd.s32 $0xA948, s2  }
0x5a: {  	s24 =	simm.s32 $0x0;
	s0 =	simm.s32 @p2 $0x140;
	s4 =	sadd.s32 $0xAF88, s3;
	v1 =	vmov s2  }
.LBB2_5:
0x5b: {  	p2 =	sge.s32 s24, s0  }
.Ltmp5:
0x5c: {  	_ = 	snop;
	(pc) =	sbr.rel @p2 .LBB2_9-.Ltmp5, $2  }
0x5d: {  	_ =	sdelay $0x2  }
0x5e: {  	s4 =	sadd.s32 $0x800, s4  }
.LBB2_6:
0x5f: {  	p2 =	sle.s32 s0, s24  }
.Ltmp6:
0x60: {  	_ = 	snop;
	(pc) =	sbr.rel @p2 .LBB2_5-.Ltmp6, $2  }
0x61: {  	_ =	sdelay $0x2  }
0x62: {  	s5 =	smov.u32 s24;
	s24 =	sadd.s32 $0x10, s24  }
0x63: {  	s2 =	ssub.s32 s0, s5  }
0x64: {  	p2 =	slt.s32 s2, $0x10  }
0x65: {  	s2 =	simm.s32 @!p2 $0x10  }
0x66: {  	v2 =	vmov s2  }
0x67: {  	vm0 =	vgt.s32 v2, v0;
	_ =	sdelay $0x5  }
0x68: {  	v2 =	vld.idx.msk [tilespmem:v1+s5+$0x0 ss:$0x1], vm0;
	_ =	sdelay $0x2  }
0x69: {  	p2 =	slt.s32 s24, s0;
	s2 =	smov.u32 s0  }
0x6a: {  	s3 =	smov.u32 s4;
	s25 =	simm.s32 $0x0;
	s2 =	smov.u32 @p2 s24  }
.LBB2_8:
0x6b: {  	(v2sf) =	vpush v2, s25;
	_ =	sdelay $0xc  }
0x6c: {  	s25 =	sadd.s32 $0x1, s25  }
0x6d: {  	s31 =	sadd.s32 s25, s5  }
0x6e: {  	p2 =	slt.s32 s31, s2;
	s9 =	spop (v2sf)  }
.Ltmp7:
0x6f: {  	s9 =	sshll.u32 s9, $0x4;
	(pc) =	sbr.rel @p2 .LBB2_8-.Ltmp7, $4  }
0x70: {  	s9 =	sand.u32 $0x1FFFFFF0, s9  }
0x71: {  	s9 =	sadd.s32 s6, s9  }
0x72: {  	[tilespmem:s3], [sflag:$0x9] =	stream.linear.gather [hbm4b:s9+s18], $0x40, $0x38;
	[tilespmem:$0x1EF88] =	vst v63  }
0x73: {  	s3 =	sadd.s32 $0x80, s3  }
.Ltmp8:
0x74: {  	_ = 	snop;
	(pc) =	sbr.rel .LBB2_5-.Ltmp8, $1  }
0x75: {  	_ =	sdelay $0x3  }
.LBB2_9:
0x76: {  	p2 =	slt.u32 s22, $0x2  }
.Ltmp9:
0x77: {  	_ = 	snop;
	(pc) =	sbr.rel @p2 .LBB2_27-.Ltmp9, $1  }
0x78: {  	_ =	sdelay $0x3  }
0x79: {  	p2 =	sgt.s32 s23, $0x319610  }
0x7a: {  	s0 =	smov.u32 s23;
	s2 =	sshra.s32 s23, $0x1F;
	s3 =	ssub.s32 $0x319750, s23  }
0x7b: {  	s0 =	simm.s32 @!p2 $0x319610;
	s2 =	sand.u32 s2, s23;
	p2 =	slt.s32 s3, $0x140  }
0x7c: {  	s0 =	ssub.s32 s0, s2;
	s3 =	simm.s32 @!p2 $0x140  }
0x7d: {  	s0 =	sadd.s32 $0xFFCE69F0, s0;
	s10 =	sshll.u32 s3, $0x6  }
0x7e: {  	s26 =	simm.s32 $0x9;
	s24 =	sshll.u32 s0, $0x2;
	s2 =	sand.u32 $0x3FFFFFC0, s10  }
0x7f: {  	p2 =	sgt.s32 s0, $0x13F;
	s25 =	ssub.s32 $0x500, s24;
	_ =	swait.ge [sflag:s26], s2  }
0x80: {  	s2 =	ssub.s32 $0x0, s2;
	[sflag:s26] =	ssyncset.done $0x0;
	s0 =	sshrl.u32 s25, $0x2  }
0x81: {  	[sflag:s26] =	ssyncadd.s32 s2;
	s0 =	simm.s32 @p2 $0x0  }
0x82: {  	_ =	swait.ge [sflag:s11], s0  }
0x83: {  	s0 =	ssub.s32 $0x0, s0;
	[sflag:s11] =	ssyncset.done $0x0  }
0x84: {  	[sflag:s11] =	ssyncadd.s32 s0  }
0x85: {  	v1 =	vld [tilespmem:$0xA108];
	_ =	sdelay $0x4  }
0x86: {  	(v2sf) =	vpush v1, $0x0  }
0x87: {  	(v2sf) =	vpush v1, $0x1  }
0x88: {  	(v2sf) =	vpush v1, $0x2;
	_ =	sdelay $0x3  }
0x89: {  	s0 =	sadd.s32 $0x140, s23  }
0x8a: {  	s2 =	ssub.s32 $0x632EA0, s23;
	p2 =	slt.s32 s8, s0  }
0x8b: {  	s0 =	smov.u32 @p2 s8;
	p2 =	sgt.s32 s2, $0x0  }
0x8c: {  	s0 =	ssub.s32 s0, s23;
	s2 =	simm.s32 @!p2 $0x0  }
0x8d: {  	p2 =	slt.s32 s2, s0  }
0x8e: {  	s0 =	smov.u32 @p2 s2  }
0x8f: {  	s26 =	simm.s32 $0x1;
	p2 =	slt.s32 s0, $0x1  }
.Ltmp10:
0x90: {  	s26 =	simm.s32 @!p1 $0x0;
	(pc) =	sbr.rel @p2 .LBB2_14-.Ltmp10, $4  }
0x91: {  	s30 =	smul.u32 $0x500, s26  }
0x92: {  	s28 =	spop (v2sf)  }
0x93: {  	s31 =	sshrl.u32 s30, $0x2;
	s29 =	spop (v2sf)  }
0x94: {  	s24 =	sadd.s32 $0xAD08, s31;
	s23 =	spop (v2sf)  }
0x95: {  	s2 =	smin.u32 s0, $0x10  }
0x96: {  	v1 =	vmov s2  }
0x97: {  	p3 =	sgt.s32 s0, $0x10;
	vm1 =	vgt.u32 v1, v0  }
.Ltmp11:
0x98: {  	_ = 	snop;
	(pc) =	sbr.rel @!p3 .LBB2_13-.Ltmp11, $2  }
0x99: {  	_ =	sdelay $0x2  }
0x9a: {  	s5 =	simm.s32 $0x10;
	s25 =	sadd.s32 $0xFFFFFFF0, s0;
	s4 =	smov.u32 s24;
	vm0 =	vmmov vm1  }
.LBB2_12:
0x9b: {  	s2 =	smin.u32 s25, $0x10;
	s5 =	sadd.s32 $0x10, s5;
	v1 =	vld.msk [tilespmem:s4+$0x0 ss:$0x1], vm1  }
0x9c: {  	v2 =	vmov s2;
	p3 =	slt.s32 s5, s0  }
0x9d: {  	vm1 =	vgt.u32 v2, v0  }
.Ltmp12:
0x9e: {  	(pc) =	sbr.rel @p3 .LBB2_12-.Ltmp12, $3  }
0x9f: {  	_ =	sdelay $0x1  }
0xa0: {  	v1 =	vshll.u32 v1, $0x4  }
0xa1: {  	s25 =	sadd.s32 $0xFFFFFFF0, s25;
	[tilespmem:s4+$0x0] =	vst.msk vm0, v1;
	s4 =	sadd.s32 $0x10, s4;
	vm0 =	vmmov vm1  }
.LBB2_13:
0xa2: {  	_ =	sdelay $0x4  }
0xa3: {  	v1 =	vld.msk [tilespmem:s4+$0x0 ss:$0x1], vm1;
	_ =	sdelay $0x4  }
0xa4: {  	v1 =	vshll.u32 v1, $0x4  }
0xa5: {  	[tilespmem:s4+$0x0] =	vst.msk vm0, v1  }
.LBB2_14:
0xa6: {  	s2 =	sand.u32 $0x1, s22  }
0xa7: {  	s2 =	smul.u32 $0x140, s2  }
0xa8: {  	p3 =	sne.s32 s29, $0xFFFFFFFF  }
0xa9: {  	v1 =	vld.msk @!p3 [tilespmem:s2+$0xAD08], $0x1;
	_ =	sdelay $0x4  }
0xaa: {  	(v2sf) =	vpush @!p3 v1, $0x0;
	_ =	sdelay $0xc  }
.Ltmp13:
0xab: {  	_ = 	snop;
	(pc) =	sbr.rel @p2 .LBB2_25-.Ltmp13, $4  }
0xac: {  	_ = 	snop  }
0xad: {  	s30 =	spop @!p3 (v2sf)  }
0xae: {  	s23 =	simm.s32 @!p3 $0x0;
	s25 =	smov.u32 s30  }
0xaf: {  	[sflag:s19] =	ssyncpa.u1 $0x0;
	s30 =	smov.u32 @p3 s28;
	s25 =	smov.u32 @p3 s29  }
0xb0: {  	v1 =	vld.msk [tilespmem:s24+$0x0], $0x1;
	_ =	sdelay $0x4  }
0xb1: {  	(v2sf) =	vpush v1, $0x0;
	_ =	sdelay $0xe  }
0xb2: {  	s2 =	smul.u32 $0x28000, s26;
	s4 =	spop (v2sf)  }
0xb3: {  	s28 =	ssub.s32 $0x0, s0;
	p2 =	seq.s32 s30, s4  }
0xb4: {  	s0 =	sadd.s32 $0x1, s28;
	s2 =	sshrl.u32 s2, $0x2;
	p3 =	sgt.s32 @!p2 s30, $0x0  }
0xb5: {  	s26 =	sadd.s32 $0xAFA8, s2;
	s2 =	smov.u32 s30;
	p3 =	por !p3, p2  }
0xb6: {  	s2 =	simm.s32 @p3 $0x0;
	p3 =	seq.s32 s0, $0x0  }
.Ltmp14:
0xb7: {  	_ = 	snop;
	(pc) =	sbr.rel @p3 .LBB2_17-.Ltmp14, $4  }
0xb8: {  	_ = 	snop  }
0xb9: {  	s29 =	simm.s32 $0x0;
	s5 =	simm.s32 @!p2 $0x1;
	s3 =	smin.u32 @!p2 s2, $0x1869F8  }
0xba: {  	s31 =	sadd.s32 $0x1, s24;
	s5 =	smov.u32 @p2 s29;
	s9 =	sand.u32 @!p2 $0x1FFFF8, s3  }
0xbb: {  	s2 =	simm.s32 @!p2 $0x50C8;
	s3 =	sand.u32 @!p2 $0x7, s3;
	s9 =	sadd.s32 @!p2 s1, s9  }
.LBB2_16:
0xbc: {  	s10 =	smov.u32 s5  }
0xbd: {  	[tilespmem:s2], [sflag:$0x2] =	stream.linear.gather @!p2 [hbm4b:s9+s3], $0x40, $0x38;
	[tilespmem:$0x1EF88] =	vst v63  }
0xbe: {  	s0 =	sadd.s32 $0x1, s0;
	s3 =	smov.u32 s4;
	v1 =	vld.msk [tilespmem:s31+$0x0], $0x1  }
0xbf: {  	p3 =	seq.s32 s0, $0x0;
	_ =	sdelay $0x3  }
0xc0: {  	(v2sf) =	vpush v1, $0x0;
	_ =	sdelay $0xe  }
0xc1: {  	s4 =	spop (v2sf)  }
0xc2: {  	p2 =	seq.s32 s3, s4  }
0xc3: {  	p4 =	sgt.s32 @!p2 s3, $0x0;
	s2 =	sshll.u32 @!p2 s5, $0x8;
	s5 =	sadd.s32 @!p2 $0x1, s5  }
.Ltmp15:
0xc4: {  	p4 =	por !p4, p2;
	s2 =	sshra.s32 @!p2 s2, $0x2;
	(pc) =	sbr.rel @!p3 .LBB2_16-.Ltmp15, $4  }
0xc5: {  	s5 =	smov.u32 @p2 s10;
	s3 =	simm.s32 @p4 $0x0;
	s2 =	sadd.s32 @!p2 $0x50C8, s2  }
0xc6: {  	s3 =	smin.u32 @!p2 s3, $0x1869F8  }
0xc7: {  	s9 =	sand.u32 @!p2 $0x1FFFF8, s3;
	s3 =	sand.u32 @!p2 $0x7, s3  }
0xc8: {  	s31 =	sadd.s32 $0x1, s31;
	s9 =	sadd.s32 @!p2 s1, s9  }
.LBB2_17:
0xc9: {  	[tilespmem:s2], [sflag:$0x2] =	stream.linear.gather @!p2 [hbm4b:s9+s3], $0x40, $0x38;
	[tilespmem:$0x1EF88] =	vst v63  }
.Ltmp16:
0xca: {  	s0 =	sshll.u32 s5, $0x6;
	(pc) =	sbr.rel .LBB2_18-.Ltmp16, $4  }
0xcb: {  	s31 =	simm.s32 $0x2;
	s0 =	sand.u32 $0x3FFFFFC0, s0  }
0xcc: {  	_ =	swait.ge [sflag:s31], s0  }
0xcd: {  	s0 =	ssub.s32 $0x0, s0;
	[sflag:s31] =	ssyncset.done $0x0  }
0xce: {  	[sflag:s31] =	ssyncadd.s32 s0;
	s0 =	simm.s32 $0x0  }
.LBB2_19:
0xcf: {  	v1 =	vld [tilespmem:s26+$0xFFFFFFE0];
	_ =	sdelay $0x4  }
0xd0: {  	[tilespmem:s4+$0x88] =	vst.add.f32.msk $0xffff, v1  }
0xd1: {  	v1 =	vld [tilespmem:s26+$0xFFFFFFF0];
	_ =	sdelay $0x4  }
0xd2: {  	[tilespmem:s4+$0x98] =	vst.add.f32.msk $0xffff, v1  }
0xd3: {  	v1 =	vld [tilespmem:s26+$0x0];
	_ =	sdelay $0x4  }
0xd4: {  	[tilespmem:s4+$0xA8] =	vst.add.f32.msk $0xffff, v1  }
0xd5: {  	v1 =	vld [tilespmem:s26+$0x10];
	_ =	sdelay $0x4  }
0xd6: {  	[tilespmem:s4+$0xB8] =	vst.add.f32.msk $0xffff, v1  }
.LBB2_23:
0xd7: {  	s28 =	sadd.s32 $0x1, s28  }
0xd8: {  	p2 =	seq.s32 s28, $0x0  }
.Ltmp17:
0xd9: {  	_ = 	snop;
	(pc) =	sbr.rel @p2 .LBB2_24-.Ltmp17, $2  }
0xda: {  	_ =	sdelay $0x2  }
0xdb: {  	s26 =	sadd.s32 $0x80, s26;
	s24 =	sadd.s32 $0x1, s24;
	s30 =	smov.u32 s31  }
.LBB2_18:
0xdc: {  	v1 =	vld.msk [tilespmem:s24+$0x0], $0x1;
	_ =	sdelay $0x4  }
0xdd: {  	(v2sf) =	vpush v1, $0x0;
	_ =	sdelay $0xe  }
0xde: {  	s31 =	spop (v2sf)  }
0xdf: {  	p2 =	sne.s32 s30, s31  }
.Ltmp18:
0xe0: {  	_ = 	snop;
	(pc) =	sbr.rel @!p2 .LBB2_19-.Ltmp18, $3  }
0xe1: {  	_ =	sdelay $0x1  }
0xe2: {  	s2 =	sshll.u32 s23, $0x8  }
0xe3: {  	s4 =	sshra.s32 s2, $0x2  }
0xe4: {  	p2 =	seq.s32 s30, s25  }
.Ltmp19:
0xe5: {  	_ = 	snop;
	(pc) =	sbr.rel @!p2 .LBB2_21-.Ltmp19, $1  }
0xe6: {  	_ =	sdelay $0x3  }
.Ltmp20:
0xe7: {  	s2 =	sadd.s32 $0x88, s4;
	(pc) =	sbr.rel .LBB2_22-.Ltmp20, $4  }
0xe8: {  	[spmem:s16] =	stream.linear.scatter [tilespmem:s2], [sflag:$0x1], $0x40, $0x38;
	[tilespmem:$0x1EF88] =	vst v63  }
0xe9: {  	_ =	swait.ge [sflag:s12], $0x40  }
0xea: {  	[sflag:s12] =	ssyncset.done $0x0  }
0xeb: {  	[sflag:s12] =	ssyncadd.s32 $0xFFFFFFC0  }
.LBB2_21:
0xec: {  	s2 =	sshll.u32 s29, $0x8  }
0xed: {  	s2 =	sshra.s32 s2, $0x2  }
0xee: {  	v1 =	vld [tilespmem:s2+$0x50C8];
	_ =	sdelay $0x4  }
0xef: {  	[tilespmem:s4+$0x88] =	vst.add.f32.msk $0xffff, v1  }
0xf0: {  	v1 =	vld [tilespmem:s2+$0x50D8];
	_ =	sdelay $0x4  }
0xf1: {  	[tilespmem:s4+$0x98] =	vst.add.f32.msk $0xffff, v1  }
0xf2: {  	v1 =	vld [tilespmem:s2+$0x50E8];
	_ =	sdelay $0x4  }
0xf3: {  	[tilespmem:s4+$0xA8] =	vst.add.f32.msk $0xffff, v1  }
0xf4: {  	v1 =	vld [tilespmem:s2+$0x50F8];
	_ =	sdelay $0x2  }
0xf5: {  	p2 =	sgt.u32 s30, $0x1869F8  }
0xf6: {  	s2 =	sand.u32 @!p2 $0x1FFFF8, s30  }
0xf7: {  	s3 =	sadd.s32 $0x88, s4;
	s2 =	sadd.s32 @!p2 s1, s2;
	[tilespmem:s4+$0xB8] =	vst.add.f32.msk $0xffff, v1;
	s4 =	sand.u32 @!p2 $0x7, s30  }
0xf8: {  	[hbm4b:s2+s4] =	stream.linear.scatter @!p2 [tilespmem:s3], [sflag:$0xC], $0x40, $0x38;
	[tilespmem:$0x1EF88] =	vst v63  }
0xf9: {  	s2 =	simm.s32 $0x0  }
0xfa: {  	s2 =	simm.s32 @!p2 $0x100  }
0xfb: {  	s0 =	sadd.s32 s2, s0  }
.LBB2_22:
0xfc: {  	s2 =	sadd.s32 $0x1, s23  }
0xfd: {  	s3 =	smulhi.u32 $0xCCCCCCCD, s2;
	_ =	sdelay $0x1  }
0xfe: {  	v1 =	vld [tilespmem:s26+$0xFFFFFFE0];
	s3 =	sshrl.u32 s3, $0x8  }
0xff: {  	s3 =	smul.u32 $0x140, s3;
	_ =	sdelay $0x1  }
0x100: {  	s23 =	ssub.s32 s2, s3  }
0x101: {  	s2 =	sshll.u32 s23, $0x6  }
0x102: {  	[tilespmem:s2+$0x88] =	vst v1  }
0x103: {  	v1 =	vld [tilespmem:s26+$0xFFFFFFF0];
	_ =	sdelay $0x4  }
0x104: {  	[tilespmem:s2+$0x98] =	vst v1  }
0x105: {  	v1 =	vld [tilespmem:s26+$0x0];
	_ =	sdelay $0x4  }
0x106: {  	[tilespmem:s2+$0xA8] =	vst v1  }
0x107: {  	v1 =	vld [tilespmem:s26+$0x10]  }
.Ltmp21:
0x108: {  	_ = 	snop;
	(pc) =	sbr.rel .LBB2_23-.Ltmp21, $2  }
0x109: {  	_ =	sdelay $0x2  }
0x10a: {  	s29 =	sadd.s32 $0x1, s29;
	[tilespmem:s2+$0xB8] =	vst v1  }
.LBB2_25:
.Ltmp22:
0x10b: {  	(pc) =	sbr.rel .LBB2_26-.Ltmp22, $4  }
0x10c: {  	_ = 	snop  }
0x10d: {  	s0 =	simm.s32 $0x2  }
0x10e: {  	_ =	swait.ge [sflag:s0], $0x0  }
0x10f: {  	s31 =	smov.u32 s30;
	[sflag:s0] =	ssyncset.done $0x0;
	s0 =	simm.s32 $0x0  }
.LBB2_28:
0x110: {  	_ =	sfence.sel $0x180000  }
0x111: {  	s0 =	simm.s32 $0x9;
	[bflag:$0x0] =	sbarrier.arrive $0xFFFF  }
0x112: {  	s24 =	simm.s32 $0xA;
	[sflag:s0] =	ssyncpa.u1 $0x1  }
0x113: {  	s25 =	simm.s32 $0xB;
	[sflag:s24] =	ssyncpa.u1 $0x1  }
0x114: {  	s26 =	simm.s32 $0x2;
	[sflag:s25] =	ssyncpa.u1 $0x1  }
0x115: {  	[sflag:s26] =	ssyncpa.u1 $0x1  }
0x116: {  	v0 =	vld [tilespmem:$0xA108];
	_ =	sdelay $0x4  }
0x117: {  	(v2sf) =	vpush v0, $0x0  }
0x118: {  	(v2sf) =	vpush v0, $0x1;
	_ =	sdelay $0x1  }
0x119: {  	(v2sf) =	vpush v0, $0x2;
	_ =	sdelay $0xb  }
0x11a: {  	s0 =	spop (v2sf)  }
0x11b: {  	s2 =	spop (v2sf)  }
0x11c: {  	s3 =	smov.u32 s0;
	p0 =	sne.s32 s0, s2  }
0x11d: {  	s4 =	spop (v2sf);
	s3 =	simm.s32 @!p0 $0xFFFFFFFF  }
0x11e: {  	v2 =	vimm.s32 $0x1;
	v3 =	vlaneseq.u32;
	p0 =	seq.s32 s4, $0xFFFFFFFF;
	v1 =	vmov s3  }
0x11f: {  	s15 =	stileid.u32;
	v0 =	vperm.xlane v0, v2;
	p1 =	sne.s32 @!p0 s0, s2;
	v1 =	vperm.xlane v1, v3  }
0x120: {  	vm0 =	vcmask $0x3F04;
	s6 =	simm.s32 $0xA108;
	s0 =	simm.s32 @!p0 $0x1;
	p1 =	por !p1, p0  }
0x121: {  	s3 =	sshll.u32 s15, $0x1;
	s2 =	sshll.u32 @!p0 s4, $0x8;
	s0 =	simm.s32 @p1 $0x0;
	v0 =	vsel vm0, v1, v0  }
0x122: {  	s5 =	sor.u32 $0x800, s3;
	s2 =	sshra.s32 @!p0 s2, $0x2;
	s0 =	sor.u32 @!p0 s0, s3;
	[tilespmem:$0xA108] =	vst v0  }
0x123: {  	[spmem:s5] =	stream.linear.scatter [tilespmem:s6], [sflag:$0x1], $0x2, $0x38;
	[tilespmem:$0x1EF88] =	vst v63  }
0x124: {  	s2 =	sadd.s32 @!p0 $0x88, s2;
	s0 =	sshll.u32 @!p0 s0, $0x6  }
0x125: {  	[spmem:s0] =	stream.linear.scatter @!p0 [tilespmem:s2], [sflag:$0x1], $0x40, $0x38;
	[tilespmem:$0x1EF88] =	vst v63  }
0x126: {  	s0 =	simm.s32 @!p0 $0x42  }
0x127: {  	s28 =	simm.s32 $0x1;
	s0 =	simm.s32 @p0 $0x2  }
0x128: {  	_ =	swait.ge [sflag:s28], s0  }
0x129: {  	s0 =	ssub.s32 $0x0, s0;
	[sflag:s28] =	ssyncset.done $0x0  }
0x12a: {  	p0 =	sne.s32 s15, $0x0;
	[sflag:s28] =	ssyncadd.s32 s0  }
.Ltmp23:
0x12b: {  	_ =	sfence.stream.spmem;
	(pc) =	sbr.rel @p0 .LBB2_45-.Ltmp23, $4  }
0x12c: {  	s29 =	simm.s32 $0x3;
	[bflag:$0x0] =	sbarrier.arrive $0xFFFF  }
0x12d: {  	s30 =	simm.s32 $0x4;
	[sflag:s29] =	ssyncpa.u1 $0x1  }
0x12e: {  	s31 =	simm.s32 $0x3C;
	[sflag:s30] =	ssyncpa.u1 $0x1  }
0x12f: {  	s14 =	rddreg [dreg:$0x4];
	[sflag:s31] =	ssyncpa.u1 $0x1  }
0x130: {  	_ =	sfence.stream.spmem;
	s0 =	simm.s32 $0x5  }
0x131: {  	s2 =	simm.s32 $0x800;
	s3 =	simm.s32 $0xA118;
	[sflag:s0] =	ssyncpa.u1 $0x0  }
0x132: {  	[tilespmem:s3], [sflag:$0x5] =	stream.linear.gather [spmem:s2], $0x20, $0x38;
	[tilespmem:$0x1EF88] =	vst v63  }
0x133: {  	s26 =	simm.s32 $0x0;
	s28 =	simm.s32 $0xA138  }
0x134: {  	[tilespmem:s28], [sflag:$0x5] =	stream.linear.gather [spmem:s26], $0x800, $0x38;
	[tilespmem:$0x1EF88] =	vst v63  }
0x135: {  	_ =	swait.ge [sflag:s0], $0x820  }
0x136: {  	[sflag:s0] =	ssyncset.done $0x0  }
0x137: {  	s29 =	simm.s32 $0x0;
	[sflag:s0] =	ssyncadd.s32 $0xFFFFF7E0  }
0x138: {  	v0 =	vld.msk [tilespmem:s29+$0xA118], $0x1;
	_ =	sdelay $0x1  }
0x139: {  	s30 =	simm.s32 $0x1  }
0x13a: {  	v1 =	vld.msk [tilespmem:s30+$0xA118], $0x1;
	_ =	sdelay $0x1  }
0x13b: {  	(v2sf) =	vpush v0, $0x0;
	_ =	sdelay $0x2  }
0x13c: {  	(v2sf) =	vpush v1, $0x0;
	_ =	sdelay $0x2  }
0x13d: {  	s31 =	simm.s32 $0x2  }
0x13e: {  	v0 =	vld.msk [tilespmem:s31+$0xA118], $0x1;
	_ =	sdelay $0x2  }
0x13f: {  	s4 =	simm.s32 $0xFFFFFFFF;
	s2 =	simm.s32 $0xFFFFFFFF;
	s0 =	simm.s32 $0xC  }
.LBB2_30:
0x140: {  	s3 =	smov.u32 s4;
	s5 =	smov.u32 s2  }
0x141: {  	s2 =	sshra.s32 s0, $0x2;
	p1 =	sne.s32 s0, $0x7C;
	s0 =	sadd.s32 $0x4, s0;
	(v2sf) =	vpush v0, $0x0  }
0x142: {  	v0 =	vld.msk [tilespmem:s2+$0xA118], $0x1  }
.Ltmp24:
0x143: {  	(pc) =	sbr.rel @p1 .LBB2_30-.Ltmp24, $4  }
0x144: {  	s4 =	spop (v2sf)  }
0x145: {  	p2 =	sne.s32 s5, $0xFFFFFFFF;
	s2 =	smov.u32 s4  }
0x146: {  	p3 =	seq.s32 s4, $0xFFFFFFFF;
	s2 =	smov.u32 @p2 s5  }
0x147: {  	s4 =	smov.u32 @p3 s3;
	s2 =	smov.u32 @p3 s5  }
0x148: {  	(v2sf) =	vpush v0, $0x0;
	_ =	sdelay $0x8  }
0x149: {  	s0 =	spop (v2sf)  }
0x14a: {  	p1 =	sne.s32 s2, $0xFFFFFFFF;
	s3 =	smov.u32 s0  }
0x14b: {  	s9 =	simm.s32 $0x6;
	p2 =	seq.s32 s0, $0xFFFFFFFF;
	s3 =	smov.u32 @p1 s2  }
0x14c: {  	s6 =	simm.s32 $0x0;
	s3 =	smov.u32 @p2 s2;
	s2 =	spop (v2sf)  }
0x14d: {  	s0 =	smov.u32 @p2 s4;
	p1 =	sne.s32 s3, $0xFFFFFFFF;
	s5 =	smov.u32 s2  }
.Ltmp25:
0x14e: {  	p2 =	seq.s32 s2, $0xFFFFFFFF;
	s5 =	smov.u32 @p1 s3;
	(pc) =	sbr.rel .LBB2_32-.Ltmp25, $4  }
0x14f: {  	s10 =	simm.s32 $0xA0C8;
	s5 =	smov.u32 @p2 s3;
	s7 =	spop (v2sf)  }
0x150: {  	s11 =	simm.s32 $0x0;
	p1 =	sne.s32 s5, $0xFFFFFFFF;
	s8 =	smov.u32 s7  }
0x151: {  	s2 =	smov.u32 @p2 s0;
	p2 =	seq.s32 s7, $0xFFFFFFFF;
	s8 =	smov.u32 @p1 s5  }
0x152: {  	[sflag:s9] =	ssyncpa.u1 $0x0;
	s7 =	smov.u32 @p2 s2;
	s8 =	smov.u32 @p2 s5  }
.LBB2_38:
0x153: {  	p1 =	sgt.u32 s12, $0x1869F8  }
0x154: {  	p2 =	seq.s32 @!p1 s12, s8  }
0x155: {  	p1 =	por p1, p2  }
0x156: {  	p2 =	sne.s32 @!p1 s12, s7  }
0x157: {  	p1 =	por p1, !p2  }
0x158: {  	s0 =	sshll.u32 @p1 s11, $0x8  }
0x159: {  	s0 =	sand.u32 @!p1 $0x1FFFF8, s12  }
0x15a: {  	s2 =	sand.u32 @!p1 $0x7, s12;
	s0 =	sadd.s32 @!p1 s1, s0  }
0x15b: {  	[tilespmem:s10], [sflag:$0x6] =	stream.linear.gather @!p1 [hbm4b:s0+s2], $0x40, $0x38;
	[tilespmem:$0x1EF88] =	vst v63  }
0x15c: {  	_ =	swait.ge @!p1 [sflag:s9], $0x40  }
0x15d: {  	[sflag:s9] =	ssyncset.done @!p1 $0x0  }
0x15e: {  	[sflag:s9] =	ssyncadd.s32 @!p1 $0xFFFFFFC0  }
0x15f: {  	v1 =	vld @!p1 [tilespmem:$0xA0C8];
	_ =	sdelay $0x2  }
0x160: {  	s0 =	sshll.u32 @!p1 s11, $0x8  }
0x161: {  	s2 =	sshrl.u32 @!p1 s0, $0x2  }
0x162: {  	[tilespmem:s2+$0xA138] =	vst.add.f32.msk @!p1 $0xffff, v1  }
0x163: {  	v1 =	vld @!p1 [tilespmem:$0xA0D8];
	_ =	sdelay $0x4  }
0x164: {  	[tilespmem:s2+$0xA148] =	vst.add.f32.msk @!p1 $0xffff, v1  }
0x165: {  	v1 =	vld @!p1 [tilespmem:$0xA0E8];
	_ =	sdelay $0x4  }
0x166: {  	[tilespmem:s2+$0xA158] =	vst.add.f32.msk @!p1 $0xffff, v1  }
0x167: {  	v1 =	vld @!p1 [tilespmem:$0xA0F8];
	_ =	sdelay $0x4  }
0x168: {  	[tilespmem:s2+$0xA168] =	vst.add.f32.msk @!p1 $0xffff, v1  }
0x169: {  	s0 =	sshrl.u32 s0, $0x2;
	[tilespmem:s6+$0xA118] =	vst.msk $0x1, v0  }
0x16a: {  	v0 =	vld [tilespmem:s0+$0xA138];
	_ =	sdelay $0x2  }
0x16b: {  	s31 =	sshll.u32 s6, $0x8  }
0x16c: {  	s2 =	sshra.s32 s31, $0x2  }
0x16d: {  	[tilespmem:s2+$0xA138] =	vst v0  }
0x16e: {  	v0 =	vld [tilespmem:s0+$0xA148];
	_ =	sdelay $0x4  }
0x16f: {  	[tilespmem:s2+$0xA148] =	vst v0  }
0x170: {  	v0 =	vld [tilespmem:s0+$0xA158];
	_ =	sdelay $0x4  }
0x171: {  	[tilespmem:s2+$0xA158] =	vst v0  }
0x172: {  	v0 =	vld [tilespmem:s0+$0xA168];
	_ =	sdelay $0x4  }
0x173: {  	s6 =	sadd.s32 $0x1, s6;
	[tilespmem:s2+$0xA168] =	vst v0  }
.LBB2_39:
0x174: {  	s11 =	sadd.s32 $0x1, s11  }
0x175: {  	p1 =	sne.s32 s11, $0x20  }
.Ltmp26:
0x176: {  	_ = 	snop;
	(pc) =	sbr.rel @!p1 .LBB2_40-.Ltmp26, $1  }
0x177: {  	_ =	sdelay $0x3  }
.LBB2_32:
0x178: {  	v0 =	vld.msk [tilespmem:s11+$0xA118], $0x1;
	_ =	sdelay $0x4  }
0x179: {  	(v2sf) =	vpush v0, $0x0;
	_ =	sdelay $0xe  }
0x17a: {  	s12 =	spop (v2sf)  }
0x17b: {  	p1 =	seq.s32 s12, $0xFFFFFFFF  }
.Ltmp27:
0x17c: {  	_ = 	snop;
	(pc) =	sbr.rel @p1 .LBB2_39-.Ltmp27, $1  }
0x17d: {  	_ =	sdelay $0x3  }
0x17e: {  	p1 =	slt.s32 s6, $0x1  }
.Ltmp28:
0x17f: {  	_ = 	snop;
	(pc) =	sbr.rel @p1 .LBB2_38-.Ltmp28, $1  }
0x180: {  	_ =	sdelay $0x3  }
0x181: {  	s0 =	simm.s32 $0xA118;
	p1 =	por $0x0, $0x0  }
0x182: {  	v1 =	vld.msk @!p1 [tilespmem:s0+$0x0], $0x1;
	_ =	sdelay $0x4  }
0x183: {  	(v2sf) =	vpush @!p1 v1, $0x0;
	_ =	sdelay $0xd  }
0x184: {  	p3 =	sne.s32 s6, $0x1  }
.Ltmp29:
0x185: {  	s2 =	spop @!p1 (v2sf);
	(pc) =	sbr.rel @!p3 .LBB2_36-.Ltmp29, $4  }
0x186: {  	p2 =	seq.s32 @!p1 s12, s2  }
0x187: {  	s13 =	simm.s32 $0x0;
	p2 =	por !p2, p1  }
0x188: {  	s2 =	simm.s32 $0xFFFFFFFF;
	s13 =	simm.s32 @p2 $0xFFFFFFFF  }
0x189: {  	s4 =	simm.s32 $0x1;
	s13 =	smov.u32 @p1 s2  }
.LBB2_35:
0x18a: {  	s2 =	smov.u32 s13;
	p1 =	sne.s32 s13, $0xFFFFFFFF  }
0x18b: {  	s0 =	sadd.s32 $0x1, s0;
	s13 =	smov.u32 s4;
	s4 =	sadd.s32 $0x1, s4  }
0x18c: {  	p2 =	sne.s32 s6, s4;
	v1 =	vld.msk @!p1 [tilespmem:s0+$0x0], $0x1;
	_ =	sdelay $0x4  }
0x18d: {  	(v2sf) =	vpush @!p1 v1, $0x0;
	_ =	sdelay $0xe  }
.Ltmp30:
0x18e: {  	s3 =	spop @!p1 (v2sf);
	(pc) =	sbr.rel @p2 .LBB2_35-.Ltmp30, $4  }
0x18f: {  	p3 =	seq.s32 @!p1 s12, s3  }
0x190: {  	p3 =	por !p3, p1  }
0x191: {  	s13 =	simm.s32 @p3 $0xFFFFFFFF  }
0x192: {  	s13 =	smov.u32 @p1 s2  }
.LBB2_36:
0x193: {  	p1 =	seq.s32 s13, $0xFFFFFFFF  }
.Ltmp31:
0x194: {  	_ = 	snop;
	(pc) =	sbr.rel @p1 .LBB2_38-.Ltmp31, $1  }
0x195: {  	_ =	sdelay $0x3  }
0x196: {  	s0 =	sshll.u32 s11, $0x6  }
0x197: {  	s0 =	sand.u32 $0x3FFFFFC0, s0  }
0x198: {  	v0 =	vld [tilespmem:s0+$0xA138];
	_ =	sdelay $0x2  }
0x199: {  	s2 =	sshll.u32 s13, $0x8  }
0x19a: {  	s2 =	sshra.s32 s2, $0x2  }
0x19b: {  	[tilespmem:s2+$0xA138] =	vst.add.f32.msk $0xffff, v0  }
0x19c: {  	v0 =	vld [tilespmem:s0+$0xA148];
	_ =	sdelay $0x4  }
0x19d: {  	[tilespmem:s2+$0xA148] =	vst.add.f32.msk $0xffff, v0  }
0x19e: {  	v0 =	vld [tilespmem:s0+$0xA158];
	_ =	sdelay $0x4  }
0x19f: {  	[tilespmem:s2+$0xA158] =	vst.add.f32.msk $0xffff, v0  }
0x1a0: {  	v0 =	vld [tilespmem:s0+$0xA168]  }
.Ltmp32:
0x1a1: {  	_ = 	snop;
	(pc) =	sbr.rel .LBB2_39-.Ltmp32, $2  }
0x1a2: {  	_ =	sdelay $0x2  }
0x1a3: {  	[tilespmem:s2+$0xA168] =	vst.add.f32.msk $0xffff, v0  }
.LBB2_40:
0x1a4: {  	s0 =	simm.s32 $0x6;
	p1 =	seq.s32 s6, $0x0  }
0x1a5: {  	[sflag:s0] =	ssyncpa.u1 $0x1;
	v0 =	vimm.s32 @p1 $0xFFFFFFFF  }
0x1a6: {  	s0 =	sadd.s32 $0xFFFFFFFF, s6;
	[tilespmem:$0xA938] =	vst @p1 v0  }
0x1a7: {  	v0 =	vld.msk @!p1 [tilespmem:s0+$0xA118], $0x1;
	_ =	sdelay $0x1  }
0x1a8: {  	v1 =	vld.msk @!p1 [tilespmem:$0xA118], $0x1;
	_ =	sdelay $0x2  }
0x1a9: {  	p2 =	seq.s32 @!p1 s0, $0x0;
	v0 =	vbroadcast @!p1 v0, $0x0  }
0x1aa: {  	vm0 =	vmmov @!p1 $0x1;
	p2 =	por !p2, p1  }
0x1ab: {  	v1 =	vnsel @!p1 vm0, $0xFFFFFFFF, v1;
	vm0 =	vcmask @!p1 $0x308;
	v0 =	vpsel !p2, $0xFFFFFFFF, v0  }
0x1ac: {  	p2 =	sne.s32 @!p1 s8, s7;
	v0 =	vsel @!p1 vm0, v1, v0  }
0x1ad: {  	s2 =	simm.s32 @!p1 $0xA138;
	s3 =	simm.s32 @!p1 $0x0;
	p3 =	por !p2, p1;
	[tilespmem:$0xA938] =	vst @!p1 v0  }
0x1ae: {  	[spmem:s3] =	stream.linear.scatter @!p1 [tilespmem:s2], [sflag:$0x1], $0x40, $0x38;
	[tilespmem:$0x1EF88] =	vst v63  }
0x1af: {  	s2 =	sshll.u32 @!p3 s0, $0x8  }
0x1b0: {  	s2 =	sshra.s32 @!p3 s2, $0x2  }
0x1b1: {  	s3 =	simm.s32 @!p3 $0x40;
	s2 =	sadd.s32 @!p3 $0xA138, s2  }
0x1b2: {  	[spmem:s3] =	stream.linear.scatter @!p3 [tilespmem:s2], [sflag:$0x1], $0x40, $0x38;
	[tilespmem:$0x1EF88] =	vst v63  }
0x1b3: {  	s2 =	simm.s32 @!p3 $0x1  }
0x1b4: {  	_ =	swait.ge @!p3 [sflag:s2], $0x80  }
0x1b5: {  	p1 =	por p2, p1;
	[sflag:s2] =	ssyncset.done @!p3 $0x0  }
0x1b6: {  	[sflag:s2] =	ssyncadd.s32 @!p3 $0xFFFFFF80;
	s2 =	simm.s32 @!p1 $0x1  }
0x1b7: {  	_ =	swait.ge @!p1 [sflag:s2], $0x40  }
0x1b8: {  	s29 =	simm.s32 $0xA938;
	[sflag:s2] =	ssyncset.done @!p1 $0x0  }
0x1b9: {  	s30 =	simm.s32 $0x800;
	s31 =	simm.s32 $0x1;
	[sflag:s2] =	ssyncadd.s32 @!p1 $0xFFFFFFC0  }
0x1ba: {  	[spmem:s30] =	stream.linear.scatter [tilespmem:s29], [sflag:$0x1], $0x10, $0x38;
	[tilespmem:$0x1EF88] =	vst v63  }
0x1bb: {  	_ =	swait.ge [sflag:s31], $0x10  }
0x1bc: {  	[sflag:s31] =	ssyncset.done $0x0  }
0x1bd: {  	p1 =	seq.s32 s14, $0x0;
	s9 =	rddreg [dreg:$0x1];
	[sflag:s31] =	ssyncadd.s32 $0xFFFFFFF0  }
0x1be: {  	s3 =	sshll.u32 @p1 s9, $0xE;
	s8 =	rddreg [dreg:$0x2]  }
0x1bf: {  	s2 =	sadd.s32 @p1 $0x15C3C, s3;
	s3 =	sshll.u32 @p1 s8, $0x11  }
0x1c0: {  	_ =	sfence.stream.spmem;
	s2 =	sor.u32 @p1 s3, s2  }
0x1c1: {  	[sflag:s2] =	ssyncadd.remote.s32 @p1 $0x1;
	s2 =	simm.s32 @p1 $0x4  }
0x1c2: {  	s4 =	simm.s32 @!p1 $0x3C;
	s3 =	sand.u32 $0xFFFFFFFE, s9;
	_ =	swait.ge @p1 [sflag:s2], $0x12  }
0x1c3: {  	s5 =	simm.s32 @!p1 $0x0;
	s3 =	sadd.s32 @!p1 $0x4, s3;
	[sflag:s2] =	ssyncset.done @p1 $0x0  }
0x1c4: {  	s7 =	simm.s32 @!p1 $0x80;
	[sflag:s2] =	ssyncadd.s32 @p1 $0xFFFFFFEE;
	s2 =	sshll.u32 @!p1 s3, $0x1A  }
0x1c5: {  	s3 =	sshll.u32 @!p1 s3, $0xD;
	s2 =	sor.u32 @!p1 s2, s8;
	_ =	swait.eq @!p1 [sflag:s4], $0x1  }
0x1c6: {  	s3 =	sor.u32 @!p1 $0x1C04, s3;
	s4 =	simm.s32 @!p1 $0x1C03;
	s2 =	sor.u32 @!p1 $0x80004000, s2  }
0x1c7: {  	[spmem:s7], [sflag:s3] =	dma.general @!p1 [spmem:s5], [sflag:s4], length:$0x10, [dreg:$0x0], stride_count:$0x0, ici_dest:s2, dma_misc:DstOpCode:WRITE  }
0x1c8: {  	p2 =	slt.s32 s0, $0x2;
	s5 =	simm.s32 @!p1 $0x100;
	s7 =	simm.s32 @!p1 $0x102  }
0x1c9: {  	[spmem:s7], [sflag:s3] =	dma.general @!p1 [spmem:s5], [sflag:s4], length:$0x2, [dreg:$0x0], stride_count:$0x0, ici_dest:s2, dma_misc:DstOpCode:WRITE  }
.Ltmp33:
0x1ca: {  	s2 =	simm.s32 @!p1 $0x3;
	(pc) =	sbr.rel @p2 .LBB2_44-.Ltmp33, $4  }
0x1cb: {  	s3 =	sshll.u32 @!p1 s9, $0xE;
	_ =	swait.ge @!p1 [sflag:s2], $0x12  }
0x1cc: {  	s4 =	sshll.u32 @!p1 s8, $0x11;
	s3 =	sadd.s32 @!p1 $0x11C3C, s3;
	[sflag:s2] =	ssyncset.done @!p1 $0x0  }
0x1cd: {  	[sflag:s2] =	ssyncadd.s32 @!p1 $0xFFFFFFEE;
	s2 =	sor.u32 @!p1 s4, s3  }
0x1ce: {  	s0 =	simm.s32 $0x0;
	[sflag:s2] =	ssyncadd.remote.s32 @!p1 $0xFFFFFFFF  }
0x1cf: {  	s0 =	simm.s32 $0xA119  }
0x1d0: {  	v0 =	vld.msk [tilespmem:s0+$0x0], $0x1;
	_ =	sdelay $0x4  }
0x1d1: {  	(v2sf) =	vpush v0, $0x0;
	_ =	sdelay $0xd  }
0x1d2: {  	s3 =	sadd.s32 $0xFFFFFFFE, s6  }
0x1d3: {  	s4 =	sadd.s32 $0xFFFFFFFF, s3;
	s2 =	spop (v2sf)  }
0x1d4: {  	p2 =	sne.s32 s4, $0x0;
	p1 =	sgt.u32 s2, $0x1869F8  }
.Ltmp34:
0x1d5: {  	s5 =	sand.u32 @!p1 $0x1FFFF8, s2;
	(pc) =	sbr.rel @!p2 .LBB2_43-.Ltmp34, $4  }
0x1d6: {  	s0 =	simm.s32 $0xA178;
	s2 =	sand.u32 @!p1 $0x7, s2;
	s3 =	sadd.s32 @!p1 s1, s5  }
0x1d7: {  	[hbm4b:s3+s2] =	stream.linear.scatter @!p1 [tilespmem:s0], [sflag:$0x5], $0x40, $0x38;
	[tilespmem:$0x1EF88] =	vst v63  }
0x1d8: {  	s2 =	simm.s32 $0x0  }
0x1d9: {  	s6 =	simm.s32 $0xA11A;
	s5 =	simm.s32 $0x0;
	s2 =	simm.s32 @!p1 $0x100  }
.LBB2_42:
0x1da: {  	v0 =	vld.msk [tilespmem:s6+$0x0], $0x1;
	s4 =	sadd.s32 $0xFFFFFFFF, s4;
	s5 =	sadd.s32 s5, s2  }
0x1db: {  	p1 =	sne.s32 s4, $0x0;
	_ =	sdelay $0x3  }
0x1dc: {  	(v2sf) =	vpush v0, $0x0;
	_ =	sdelay $0xe  }
.Ltmp35:
0x1dd: {  	s3 =	spop (v2sf);
	(pc) =	sbr.rel @p1 .LBB2_42-.Ltmp35, $4  }
0x1de: {  	s2 =	simm.s32 $0x0;
	p2 =	sgt.u32 s3, $0x1869F8  }
0x1df: {  	s0 =	sadd.s32 $0x40, s0;
	s2 =	simm.s32 @!p2 $0x100;
	s7 =	sand.u32 @!p2 $0x1FFFF8, s3  }
0x1e0: {  	s6 =	sadd.s32 $0x1, s6;
	s3 =	sand.u32 @!p2 $0x7, s3;
	s7 =	sadd.s32 @!p2 s1, s7  }
0x1e1: {  	[hbm4b:s7+s3] =	stream.linear.scatter @!p2 [tilespmem:s0], [sflag:$0x5], $0x40, $0x38;
	[tilespmem:$0x1EF88] =	vst v63  }
.LBB2_43:
0x1e2: {  	s0 =	sadd.s32 s5, s2  }
0x1e3: {  	s0 =	sshrl.u32 s0, $0x2  }
.LBB2_44:
0x1e4: {  	s2 =	simm.s32 $0x5  }
0x1e5: {  	_ =	swait.ge [sflag:s2], s0  }
0x1e6: {  	s31 =	ssub.s32 $0x0, s0;
	[sflag:s2] =	ssyncset.done $0x0  }
0x1e7: {  	[sflag:s2] =	ssyncadd.s32 s31  }
0x1e8: {  	[sflag:s2] =	ssyncpa.u1 $0x1  }
.LBB2_45:
0x1e9: {  	s0 =	sor.u32 s14, s15  }
0x1ea: {  	p1 =	sne.s32 s0, $0x0  }
.Ltmp36:
0x1eb: {  	_ = 	snop;
	(pc) =	sbr.rel @p1 .LBB2_60-.Ltmp36, $3  }
0x1ec: {  	_ =	sdelay $0x1  }
0x1ed: {  	[bflag:$0x0] =	sbarrier.arrive $0xFFFF  }
0x1ee: {  	_ =	sfence  }
0x1ef: {  	s0 =	simm.s32 $0x7  }
0x1f0: {  	s2 =	simm.s32 $0x800;
	s3 =	simm.s32 $0xA118;
	[sflag:s0] =	ssyncpa.u1 $0x0  }
0x1f1: {  	[tilespmem:s3], [sflag:$0x7] =	stream.linear.gather [spmem:s2], $0x20, $0x38;
	[tilespmem:$0x1EF88] =	vst v63  }
0x1f2: {  	s30 =	simm.s32 $0xA138;
	s2 =	simm.s32 $0x0  }
0x1f3: {  	[tilespmem:s30], [sflag:$0x7] =	stream.linear.gather [spmem:s2], $0x800, $0x38;
	[tilespmem:$0x1EF88] =	vst v63  }
.Ltmp37:
0x1f4: {  	_ = 	snop;
	(pc) =	sbr.rel .LBB2_47-.Ltmp37, $4  }
0x1f5: {  	_ =	swait.ge [sflag:s0], $0x820  }
0x1f6: {  	[sflag:s0] =	ssyncset.done $0x0  }
0x1f7: {  	s31 =	simm.s32 $0x8;
	[sflag:s0] =	ssyncadd.s32 $0xFFFFF7E0  }
0x1f8: {  	s3 =	simm.s32 $0x0;
	[sflag:s31] =	ssyncpa.u1 $0x0  }
.LBB2_53:
0x1f9: {  	p1 =	slt.u32 s0, $0x1869F9  }
0x1fa: {  	s4 =	sand.u32 @p1 $0x1FFFF8, s0  }
0x1fb: {  	s0 =	sand.u32 @p1 $0x7, s0;
	s5 =	simm.s32 @p1 $0xA0C8;
	s4 =	sadd.s32 @p1 s1, s4  }
0x1fc: {  	[tilespmem:s5], [sflag:$0x8] =	stream.linear.gather @p1 [hbm4b:s4+s0], $0x40, $0x38;
	[tilespmem:$0x1EF88] =	vst v63  }
0x1fd: {  	s0 =	simm.s32 @p1 $0x8  }
0x1fe: {  	_ =	swait.ge @p1 [sflag:s0], $0x40  }
0x1ff: {  	[sflag:s0] =	ssyncset.done @p1 $0x0  }
0x200: {  	[sflag:s0] =	ssyncadd.s32 @p1 $0xFFFFFFC0  }
0x201: {  	v1 =	vld @p1 [tilespmem:$0xA0C8];
	_ =	sdelay $0x2  }
0x202: {  	s0 =	sshll.u32 @p1 s3, $0x8  }
0x203: {  	s4 =	sshrl.u32 @p1 s0, $0x2  }
0x204: {  	[tilespmem:s4+$0xA138] =	vst.add.f32.msk @p1 $0xffff, v1  }
0x205: {  	v1 =	vld @p1 [tilespmem:$0xA0D8];
	_ =	sdelay $0x4  }
0x206: {  	[tilespmem:s4+$0xA148] =	vst.add.f32.msk @p1 $0xffff, v1  }
0x207: {  	v1 =	vld @p1 [tilespmem:$0xA0E8];
	_ =	sdelay $0x4  }
0x208: {  	[tilespmem:s4+$0xA158] =	vst.add.f32.msk @p1 $0xffff, v1  }
0x209: {  	v1 =	vld @p1 [tilespmem:$0xA0F8];
	_ =	sdelay $0x3  }
0x20a: {  	s5 =	sshll.u32 @!p1 s3, $0x8  }
0x20b: {  	s5 =	smov.u32 @p1 s0;
	[tilespmem:s4+$0xA168] =	vst.add.f32.msk @p1 $0xffff, v1  }
0x20c: {  	s0 =	sshrl.u32 s5, $0x2;
	[tilespmem:s2+$0xA118] =	vst.msk $0x1, v0  }
0x20d: {  	v0 =	vld [tilespmem:s0+$0xA138];
	_ =	sdelay $0x2  }
0x20e: {  	s31 =	sshll.u32 s2, $0x8  }
0x20f: {  	s4 =	sshra.s32 s31, $0x2  }
0x210: {  	[tilespmem:s4+$0xA138] =	vst v0  }
0x211: {  	v0 =	vld [tilespmem:s0+$0xA148];
	_ =	sdelay $0x4  }
0x212: {  	[tilespmem:s4+$0xA148] =	vst v0  }
0x213: {  	v0 =	vld [tilespmem:s0+$0xA158];
	_ =	sdelay $0x4  }
0x214: {  	[tilespmem:s4+$0xA158] =	vst v0  }
0x215: {  	v0 =	vld [tilespmem:s0+$0xA168];
	_ =	sdelay $0x4  }
0x216: {  	s2 =	sadd.s32 $0x1, s2;
	[tilespmem:s4+$0xA168] =	vst v0  }
.LBB2_54:
0x217: {  	s3 =	sadd.s32 $0x1, s3  }
0x218: {  	p1 =	sne.s32 s3, $0x20  }
.Ltmp38:
0x219: {  	_ = 	snop;
	(pc) =	sbr.rel @!p1 .LBB2_55-.Ltmp38, $1  }
0x21a: {  	_ =	sdelay $0x3  }
.LBB2_47:
0x21b: {  	v0 =	vld.msk [tilespmem:s3+$0xA118], $0x1;
	_ =	sdelay $0x4  }
0x21c: {  	(v2sf) =	vpush v0, $0x0;
	_ =	sdelay $0xe  }
0x21d: {  	s0 =	spop (v2sf)  }
0x21e: {  	p1 =	seq.s32 s0, $0xFFFFFFFF  }
.Ltmp39:
0x21f: {  	_ = 	snop;
	(pc) =	sbr.rel @p1 .LBB2_54-.Ltmp39, $1  }
0x220: {  	_ =	sdelay $0x3  }
0x221: {  	p1 =	slt.s32 s2, $0x1  }
.Ltmp40:
0x222: {  	_ = 	snop;
	(pc) =	sbr.rel @p1 .LBB2_53-.Ltmp40, $1  }
0x223: {  	_ =	sdelay $0x3  }
0x224: {  	s4 =	simm.s32 $0xA118;
	p1 =	por $0x0, $0x0  }
0x225: {  	v1 =	vld.msk @!p1 [tilespmem:s4+$0x0], $0x1;
	_ =	sdelay $0x4  }
0x226: {  	(v2sf) =	vpush @!p1 v1, $0x0;
	_ =	sdelay $0xd  }
0x227: {  	p3 =	sne.s32 s2, $0x1  }
.Ltmp41:
0x228: {  	s5 =	spop @!p1 (v2sf);
	(pc) =	sbr.rel @!p3 .LBB2_51-.Ltmp41, $4  }
0x229: {  	p2 =	seq.s32 @!p1 s0, s5  }
0x22a: {  	s5 =	simm.s32 $0x0;
	p2 =	por !p2, p1  }
0x22b: {  	s7 =	simm.s32 $0xFFFFFFFF;
	s5 =	simm.s32 @p2 $0xFFFFFFFF  }
0x22c: {  	s6 =	simm.s32 $0x1;
	s5 =	smov.u32 @p1 s7  }
.LBB2_50:
0x22d: {  	s7 =	smov.u32 s5;
	p1 =	sne.s32 s5, $0xFFFFFFFF  }
0x22e: {  	s4 =	sadd.s32 $0x1, s4;
	s5 =	smov.u32 s6;
	s6 =	sadd.s32 $0x1, s6  }
0x22f: {  	p2 =	sne.s32 s2, s6;
	v1 =	vld.msk @!p1 [tilespmem:s4+$0x0], $0x1;
	_ =	sdelay $0x4  }
0x230: {  	(v2sf) =	vpush @!p1 v1, $0x0;
	_ =	sdelay $0xe  }
.Ltmp42:
0x231: {  	s8 =	spop @!p1 (v2sf);
	(pc) =	sbr.rel @p2 .LBB2_50-.Ltmp42, $4  }
0x232: {  	p3 =	seq.s32 @!p1 s0, s8  }
0x233: {  	p3 =	por !p3, p1  }
0x234: {  	s5 =	simm.s32 @p3 $0xFFFFFFFF  }
0x235: {  	s5 =	smov.u32 @p1 s7  }
.LBB2_51:
0x236: {  	p1 =	seq.s32 s5, $0xFFFFFFFF  }
.Ltmp43:
0x237: {  	_ = 	snop;
	(pc) =	sbr.rel @p1 .LBB2_53-.Ltmp43, $1  }
0x238: {  	_ =	sdelay $0x3  }
0x239: {  	s0 =	sshll.u32 s3, $0x6  }
0x23a: {  	s0 =	sand.u32 $0x3FFFFFC0, s0  }
0x23b: {  	v0 =	vld [tilespmem:s0+$0xA138];
	_ =	sdelay $0x2  }
0x23c: {  	s4 =	sshll.u32 s5, $0x8  }
0x23d: {  	s4 =	sshra.s32 s4, $0x2  }
0x23e: {  	[tilespmem:s4+$0xA138] =	vst.add.f32.msk $0xffff, v0  }
0x23f: {  	v0 =	vld [tilespmem:s0+$0xA148];
	_ =	sdelay $0x4  }
0x240: {  	[tilespmem:s4+$0xA148] =	vst.add.f32.msk $0xffff, v0  }
0x241: {  	v0 =	vld [tilespmem:s0+$0xA158];
	_ =	sdelay $0x4  }
0x242: {  	[tilespmem:s4+$0xA158] =	vst.add.f32.msk $0xffff, v0  }
0x243: {  	v0 =	vld [tilespmem:s0+$0xA168]  }
.Ltmp44:
0x244: {  	_ = 	snop;
	(pc) =	sbr.rel .LBB2_54-.Ltmp44, $2  }
0x245: {  	_ =	sdelay $0x2  }
0x246: {  	[tilespmem:s4+$0xA168] =	vst.add.f32.msk $0xffff, v0  }
.LBB2_55:
0x247: {  	p1 =	slt.s32 s2, $0x1  }
.Ltmp45:
0x248: {  	_ = 	snop;
	(pc) =	sbr.rel @p1 .LBB2_59-.Ltmp45, $3  }
0x249: {  	_ =	sdelay $0x1  }
0x24a: {  	s0 =	simm.s32 $0x8  }
0x24b: {  	[sflag:s0] =	ssyncpa.u1 $0x1;
	s0 =	simm.s32 $0x0  }
0x24c: {  	s3 =	simm.s32 $0xA118  }
0x24d: {  	v0 =	vld.msk [tilespmem:s3+$0x0], $0x1;
	_ =	sdelay $0x4  }
0x24e: {  	(v2sf) =	vpush v0, $0x0;
	_ =	sdelay $0xe  }
0x24f: {  	s2 =	sadd.s32 $0xFFFFFFFF, s2;
	s4 =	spop (v2sf)  }
0x250: {  	p2 =	sne.s32 s2, $0x0;
	p1 =	sgt.u32 s4, $0x1869F8  }
.Ltmp46:
0x251: {  	s5 =	sand.u32 @!p1 $0x1FFFF8, s4;
	(pc) =	sbr.rel @!p2 .LBB2_58-.Ltmp46, $4  }
0x252: {  	s3 =	simm.s32 $0xA138;
	s4 =	sand.u32 @!p1 $0x7, s4;
	s5 =	sadd.s32 @!p1 s1, s5  }
0x253: {  	[hbm4b:s5+s4] =	stream.linear.scatter @!p1 [tilespmem:s3], [sflag:$0x7], $0x40, $0x38;
	[tilespmem:$0x1EF88] =	vst v63  }
0x254: {  	s5 =	simm.s32 $0x0  }
0x255: {  	s4 =	simm.s32 $0xA119;
	s5 =	simm.s32 @!p1 $0x100  }
.LBB2_57:
0x256: {  	v0 =	vld.msk [tilespmem:s4+$0x0], $0x1;
	s2 =	sadd.s32 $0xFFFFFFFF, s2;
	s0 =	sadd.s32 s0, s5  }
0x257: {  	p1 =	sne.s32 s2, $0x0;
	_ =	sdelay $0x3  }
0x258: {  	(v2sf) =	vpush v0, $0x0;
	_ =	sdelay $0xe  }
.Ltmp47:
0x259: {  	s6 =	spop (v2sf);
	(pc) =	sbr.rel @p1 .LBB2_57-.Ltmp47, $4  }
0x25a: {  	s5 =	simm.s32 $0x0;
	p2 =	sgt.u32 s6, $0x1869F8  }
0x25b: {  	s3 =	sadd.s32 $0x40, s3;
	s5 =	simm.s32 @!p2 $0x100;
	s7 =	sand.u32 @!p2 $0x1FFFF8, s6  }
0x25c: {  	s4 =	sadd.s32 $0x1, s4;
	s6 =	sand.u32 @!p2 $0x7, s6;
	s7 =	sadd.s32 @!p2 s1, s7  }
0x25d: {  	[hbm4b:s7+s6] =	stream.linear.scatter @!p2 [tilespmem:s3], [sflag:$0x7], $0x40, $0x38;
	[tilespmem:$0x1EF88] =	vst v63  }
.LBB2_58:
0x25e: {  	s0 =	sadd.s32 s0, s5  }
0x25f: {  	s0 =	sshrl.u32 s0, $0x2  }
.LBB2_59:
0x260: {  	s1 =	simm.s32 $0x7  }
0x261: {  	_ =	swait.ge [sflag:s1], s0  }
0x262: {  	s31 =	ssub.s32 $0x0, s0;
	[sflag:s1] =	ssyncset.done $0x0  }
0x263: {  	[sflag:s1] =	ssyncadd.s32 s31  }
0x264: {  	[sflag:s1] =	ssyncpa.u1 $0x1  }
.LBB2_60:
0x265: {  	_ =	sfence;
	s0 =	simm.s32 $0x1  }
0x266: {  	[sflag:s0] =	ssyncpa.u1 $0x1  }
0x267: {  	_ =	strace $0x9000004A  }
0x268: {  	[bflag:$0x2] =	sbarrier.arrive $0xFFFF  }
0x269: {  	s0 =	rddreg [dreg:$0x3]  }
0x26a: {  	s0 =	sadd.s32 @!p0 $0x100000, s0  }
0x26b: {  	[sflag:s0] =	ssyncadd.tile.s32 @!p0 $0x1;
	_ =	shalt  }
.Lfunc_end2:
_tile_overlayer_lowered:
.L_overlay_start_2:
0x26c: {  	(tag) =	ssettag $0x2  }
0x26d: {  	s0 =	rddreg [dreg:$0x0];
	s2 =	stileid.u32  }
0x26e: {  	s1 =	rddreg [dreg:$0x1];
	p0 =	sne.s32 s2, $0x0  }
0x26f: {  	s3 =	rddreg [dreg:$0x2];
	[bflag:$0x3] =	sbarrier.arrive $0xFFFF;
	s2 =	simm.s32 @!p0 $0x1C01  }
0x270: {  	[timem:s3], [sflag:s2] =	dma.local @!p0 [hbm:s0], s1  }
0x271: {  	s0 =	simm.s32 @!p0 $0x1  }
0x272: {  	_ =	swait.ge @!p0 [sflag:s0], s1  }
0x273: {  	s1 =	ssub.s32 @!p0 $0x0, s1;
	[sflag:s0] =	ssyncset.done @!p0 $0x0  }
0x274: {  	[sflag:s0] =	ssyncadd.s32 @!p0 s1  }
0x275: {  	[bflag:$0x3] =	sbarrier.arrive $0xFFFF  }
0x276: {  	_ =	shalt  }

// kernel: scatter_offload_async_start.2
scs
__scs_entry_jumppad:
0x0: {  	(pc) =	sbr.rel $0x88, $3  }
0x1: {  	(tag) =	ssettag $0x0;
	lr =	simm.s32 $0x1  }
0x2: {  	[smem:$0x3F99] =	sst lr;
	_ =	strace $0xD0000000  }
0x3: {  	_ = 	snop  }
0x4: {  	_ = 	snop  }
0x5: {  	_ = 	snop  }
0x6: {  	_ = 	snop  }
0x7: {  	_ = 	snop  }
__scs_overlays_trampoline_lowered:
0x8: {  	[smem:$0x3FA8] =	sst s0  }
0x9: {  	[smem:$0x3FA9] =	sst s1  }
0xa: {  	[smem:$0x3FAA] =	sst s2  }
0xb: {  	[smem:$0x3FAB] =	sst s3  }
0xc: {  	[smem:$0x3FAC] =	sst s4  }
0xd: {  	[smem:$0x3FAD] =	sst s5  }
0xe: {  	[smem:$0x3FAE] =	sst s6  }
0xf: {  	[smem:$0x3FAF] =	sst s7  }
0x10: {  	[smem:$0x3FB0] =	sst s8  }
0x11: {  	[smem:$0x3FB1] =	sst s9;
	s0 =	simm.s32 @!p0 $0x0  }
0x12: {  	s1 =	sld [smem:$0x3F97];
	s0 =	simm.s32 @p0 $0x1  }
0x13: {  	[smem:$0x3FB2] =	sst s0;
	s0 =	simm.s32 @!p1 $0x0  }
0x14: {  	s2 =	sld [smem:$0x3F96];
	s0 =	simm.s32 @p1 $0x1  }
0x15: {  	[smem:$0x3FB3] =	sst s0;
	s0 =	simm.s32 @!p2 $0x0  }
0x16: {  	s3 =	sld [smem:$0x3FDB];
	s0 =	simm.s32 @p2 $0x1  }
0x17: {  	s4 =	simm.s32 $0x1BF5;
	[smem:$0x3FB5] =	sst s0  }
0x18: {  	s0 =	sld [smem:$0x3F98];
	_ =	swait.ge [sflag:s4], $0x0  }
0x19: {  	s7 =	sld [smem:$0x3F99]  }
0x1a: {  	s8 =	sadd.s32 $0xFFFFE003, lr  }
0x1b: {  	s9 =	sadd.s32 $0xFFFFFEF7, lr;
	s5 =	simm.s32 $0xFFFFFFFF;
	p2 =	slt.u32 s8, $0xFFFFF086  }
0x1c: {  	p1 =	slt.u32 s9, $0xF7A;
	s5 =	simm.s32 @!p2 $0x0  }
0x1d: {  	s5 =	simm.s32 @p1 $0x1;
	p0 =	seq.s32 s7, s2  }
0x1e: {  	s7 =	smul.u32 @!p0 $0xF7A, s2;
	p2 =	seq.s32 @!p0 s5, $0x0  }
0x1f: {  	s9 =	smul.u32 $0xF7A, s1;
	s8 =	simm.s32 @!p0 $0x1BF5;
	p2 =	por !p2, p0  }
0x20: {  	[sflag:s8] =	ssyncset.s32 @!p0 $0xFFFFF086;
	s6 =	sadd.s32 @!p0 s3, s7;
	s7 =	simm.s32 @!p0 $0x108  }
0x21: {  	s3 =	sadd.s32 s3, s9;
	s6 =	sadd.s32 @!p0 $0x88, s6;
	s7 =	simm.s32 @p2 $0x1082  }
0x22: {  	[simem:s7], [sflag:s8] =	dma.local @!p0 [hbm:s6], $0xF7A  }
0x23: {  	s9 =	sor.u32 $0xD0000000, s2;
	s6 =	simm.s32 $0x108;
	_ =	swait.ge @!p0 [sflag:s8], $0x0  }
0x24: {  	s3 =	sadd.s32 $0x88, s3;
	s6 =	simm.s32 @!p1 $0x1082;
	[sflag:s4] =	ssyncset.s32 $0xFFFFF086  }
0x25: {  	[simem:s6], [sflag:s4] =	dma.local [hbm:s3], $0xF7A  }
0x26: {  	[smem:$0x3F99] =	sst s1;
	(tag) =	ssettag s2;
	_ =	strace s9  }
0x27: {  	s1 =	sld [smem:$0x3FA9]  }
0x28: {  	s2 =	sld [smem:$0x3FAA]  }
0x29: {  	s4 =	sld [smem:$0x3FAC]  }
0x2a: {  	p0 =	seq.s32 s5, $0x0;
	s5 =	sld [smem:$0x3FAD]  }
0x2b: {  	s6 =	sld [smem:$0x3FAE]  }
0x2c: {  	s7 =	sld [smem:$0x3FAF]  }
0x2d: {  	s3 =	simm.s32 $0x108;
	s8 =	sld [smem:$0x3FB0]  }
0x2e: {  	s3 =	simm.s32 @!p0 $0x1082;
	s9 =	sld [smem:$0x3FB1]  }
0x2f: {  	lr =	sadd.s32 s0, s3;
	s0 =	sld [smem:$0x3FA8]  }
0x30: {  	s3 =	sld [smem:$0x3FAB]  }
0x31: {  	[smem:$0x3FB4] =	sst s10  }
0x32: {  	s10 =	sld [smem:$0x3FB2];
	_ =	sdelay $0x3  }
0x33: {  	p0 =	seq.s32 s10, $0x1;
	s10 =	sld [smem:$0x3FB4];
	_ =	sdelay $0x3  }
0x34: {  	[smem:$0x3FB4] =	sst s10  }
0x35: {  	s10 =	sld [smem:$0x3FB3];
	_ =	sdelay $0x3  }
0x36: {  	p1 =	seq.s32 s10, $0x1;
	s10 =	sld [smem:$0x3FB4];
	_ =	sdelay $0x3  }
0x37: {  	[smem:$0x3FB4] =	sst s10  }
0x38: {  	s10 =	sld [smem:$0x3FB5]  }
0x39: {  	_ = 	snop;
	(pc) =	sbr.ind lr, $3  }
0x3a: {  	_ = 	snop  }
0x3b: {  	_ = 	snop  }
0x3c: {  	p2 =	seq.s32 s10, $0x1;
	s10 =	sld [smem:$0x3FB4]  }
0x3d: {  	_ =	shalt  }
0x3e: {  	_ =	shalt  }
0x3f: {  	_ =	shalt  }
0x40: {  	_ =	shalt  }
0x41: {  	_ =	shalt  }
0x42: {  	_ =	shalt  }
0x43: {  	_ =	shalt  }
0x44: {  	_ =	shalt  }
0x45: {  	_ =	shalt  }
0x46: {  	_ =	shalt  }
0x47: {  	_ =	shalt  }
0x48: {  	_ =	shalt  }
0x49: {  	_ =	shalt  }
0x4a: {  	_ =	shalt  }
0x4b: {  	_ =	shalt  }
0x4c: {  	_ =	shalt  }
0x4d: {  	_ =	shalt  }
0x4e: {  	_ =	shalt  }
0x4f: {  	_ =	shalt  }
0x50: {  	_ =	shalt  }
0x51: {  	_ =	shalt  }
0x52: {  	_ =	shalt  }
0x53: {  	_ =	shalt  }
0x54: {  	_ =	shalt  }
0x55: {  	_ =	shalt  }
0x56: {  	_ =	shalt  }
0x57: {  	_ =	shalt  }
0x58: {  	_ =	shalt  }
0x59: {  	_ =	shalt  }
0x5a: {  	_ =	shalt  }
0x5b: {  	_ =	shalt  }
0x5c: {  	_ =	shalt  }
0x5d: {  	_ =	shalt  }
0x5e: {  	_ =	shalt  }
0x5f: {  	_ =	shalt  }
0x60: {  	_ =	shalt  }
0x61: {  	_ =	shalt  }
0x62: {  	_ =	shalt  }
0x63: {  	_ =	shalt  }
0x64: {  	_ =	shalt  }
0x65: {  	_ =	shalt  }
0x66: {  	_ =	shalt  }
0x67: {  	_ =	shalt  }
0x68: {  	_ =	shalt  }
0x69: {  	_ =	shalt  }
0x6a: {  	_ =	shalt  }
0x6b: {  	_ =	shalt  }
0x6c: {  	_ =	shalt  }
0x6d: {  	_ =	shalt  }
0x6e: {  	_ =	shalt  }
0x6f: {  	_ =	shalt  }
0x70: {  	_ =	shalt  }
0x71: {  	_ =	shalt  }
0x72: {  	_ =	shalt  }
0x73: {  	_ =	shalt  }
0x74: {  	_ =	shalt  }
0x75: {  	_ =	shalt  }
0x76: {  	_ =	shalt  }
0x77: {  	_ =	shalt  }
0x78: {  	_ =	shalt  }
0x79: {  	_ =	shalt  }
0x7a: {  	_ =	shalt  }
0x7b: {  	_ =	shalt  }
0x7c: {  	_ =	shalt  }
0x7d: {  	_ =	shalt  }
0x7e: {  	_ =	shalt  }
0x7f: {  	_ =	shalt  }
0x80: {  	_ =	shalt  }
0x81: {  	_ =	shalt  }
0x82: {  	_ =	shalt  }
0x83: {  	_ =	shalt  }
0x84: {  	_ =	shalt  }
0x85: {  	_ =	shalt  }
0x86: {  	_ =	shalt  }
0x87: {  	_ =	shalt  }
.Lfunc_end0:
.L_simem_size_0:
called_computation.2_lowered:
.L_overlay_start_0:
0x88: {  	s2 =	sld [smem:$0x3FD9]  }
0x89: {  	s3 =	sld [smem:$0x3FFE];
	_ =	sdelay $0x1  }
0x8a: {  	s1 =	srdreg.scid  }
0x8b: {  	s0 =	sand.u32 $0x1, s1  }
0x8c: {  	s15 =	sshll.u32 s0, $0xA;
	s2 =	sadd.s32 s3, s2  }
0x8d: {  	s2 =	sadd.s32 s2, s15  }
0x8e: {  	[smem:$0x3FC0] =	sst s2  }
0x8f: {  	_ = 	snop  }
0x90: {  	(tm) =	ssettm $0x1  }
0x91: {  	s16 =	sld [smem:$0x3FFB];
	_ =	sdelay $0x3  }
0x92: {  	_ =	strace s16  }
0x93: {  	s2 =	sld [smem:$0x3FFC];
	_ =	sdelay $0x3  }
0x94: {  	_ =	strace s2  }
0x95: {  	s2 =	sld [smem:$0x3FFD];
	_ =	sdelay $0x3  }
0x96: {  	_ =	strace s2  }
0x97: {  	_ =	strace $0x8FFFFFFF  }
0x98: {  	s17 =	sld [smem:$0x3FDB];
	_ =	sdelay $0x1  }
0x99: {  	s18 =	simm.s32 $_scs_section_size  }
0x9a: {  	s4 =	simm.s32 $_size__tile_overlayer_lowered;
	s5 =	simm.s32 $_tile_overlayer_lowered  }
0x9b: {  	s21 =	simm.s32 $0x1BFF;
	s20 =	sshll.u32 s5, $0x1;
	s2 =	sadd.s32 s18, s17  }
0x9c: {  	s6 =	simm.s32 $0x0;
	s19 =	sshll.u32 s4, $0x1;
	s4 =	sadd.s32 s20, s2  }
0x9d: {  	[timem:s6], [sflag:s21] =	dma.local [hbm:s4], s19  }
0x9e: {  	_ =	swait.ge [sflag:s21], s19  }
0x9f: {  	s3 =	ssub.s32 $0x0, s19;
	[sflag:s21] =	ssyncset.done $0x0  }
0xa0: {  	[sflag:s21] =	ssyncadd.s32 s3;
	_ =	sdelay $0x1  }
0xa1: {  	s22 =	simm.s32 $0x1B8B  }
0xa2: {  	_ =	swait.ge [sflag:s22], $0x1  }
0xa3: {  	[sflag:s22] =	ssyncset.done $0x0  }
0xa4: {  	s23 =	sld [smem:$0x3FFE];
	[sflag:s22] =	ssyncadd.s32 $0xFFFFFFFF  }
0xa5: {  	s25 =	simm.s32 $0x1B8E;
	s24 =	sld [smem:$0x0]  }
0xa6: {  	s26 =	simm.s32 $execute0_lowered;
	[smem:$0x3FD2] =	sst s25  }
0xa7: {  	s5 =	sshll.u32 s26, $0x1;
	_ =	strace $0x8000004C;
	[dreg:$0x1] =	wrdreg $0xFFFFFFFF  }
0xa8: {  	s28 =	simm.s32 $_size_execute0_lowered;
	s2 =	sadd.s32 s2, s5;
	[dreg:$0x0] =	wrdreg $0x0  }
0xa9: {  	s5 =	sshll.u32 s28, $0x1;
	[dreg:$0x2] =	wrdreg s2  }
0xaa: {  	[dreg:$0x3] =	wrdreg s5  }
0xab: {  	[dreg:$0x4] =	wrdreg $0xC0  }
0xac: {  	_ =	task [dreg:s6], $0x5FFFF  }
0xad: {  	[dreg:$0x1] =	wrdreg $0xFFFFFFFF  }
0xae: {  	[dreg:$0x0] =	wrdreg $0x60  }
0xaf: {  	[dreg:$0x2] =	wrdreg s23  }
0xb0: {  	[dreg:$0x3] =	wrdreg s1  }
0xb1: {  	[dreg:$0x4] =	wrdreg s24  }
0xb2: {  	[dreg:$0x5] =	wrdreg $0x9  }
0xb3: {  	_ =	task.clear_ibuf [dreg:s6], $0x6FFFF;
	_ =	strace $0x9000004C  }
0xb4: {  	s29 =	simm.s32 $0x9;
	_ =	strace $0x8000004E  }
0xb5: {  	_ =	swait.ge [sflag:s29], $0x1  }
0xb6: {  	[sflag:s29] =	ssyncadd.s32 $0xFFFFFFFF  }
0xb7: {  	_ =	strace $0x9000004E  }
0xb8: {  	_ =	sfence  }
0xb9: {  	s30 =	sld [smem:$0x0];
	_ =	sdelay $0x2  }
0xba: {  	s31 =	sshll.u32 s1, $0xD;
	s1 =	sshrl.u32 s1, $0x2  }
0xbb: {  	s3 =	sand.u32 $0x4000, s31;
	s1 =	sadd.s32 s1, s30  }
0xbc: {  	s0 =	sor.u32 s3, s0;
	s1 =	sshll.u32 s1, $0x11  }
0xbd: {  	s0 =	sor.u32 s1, s0  }
0xbe: {  	s0 =	sadd.s32 $0x8F2B, s0  }
0xbf: {  	[sflag:s0] =	ssyncadd.remote.s32 $0x1  }
0xc0: {  	_ =	sfence.sel $0xFFFF  }
0xc1: {  	[dreg:$0x0] =	wrdreg $0xFFFFFFFF;
	(pc) =	sbr.abs _section_cstart, $3  }
0xc2: {  	[dreg:$0x1] =	wrdreg $0xFFFFFFFF  }
0xc3: {  	_ =	task.clear_ibuf [dreg:s6], $0x2FFFF;
	_ =	strace $0x9FFFFFFF  }
0xc4: {  	(tm) =	ssettm $0x7FFFFFFF  }
0xc5: {  	_ =	shalt  }
tec
execute0_lowered:
.L_overlay_start_1:
0x0: {  	(tag) =	ssettag $0x1  }
0x1: {  	s1 =	rddreg [dreg:$0x0]  }
0x2: {  	s2 =	rddreg [dreg:$0x1];
	_ =	strace $0x8000004D;
	s0 =	simm.s32 $0x1  }
0x3: {  	s4 =	simm.s32 $0x88;
	v0 =	vimm.s32 $0x0;
	[sflag:s0] =	ssyncpa.u1 $0x0  }
0x4: {  	[tilespmem:s4+$0x30] =	vst v0  }
0x5: {  	s0 =	sadd.s32 $0x49D400, s1;
	s6 =	sadd.s32 $0x563A00, s1;
	[tilespmem:s4+$0x20] =	vst v0  }
0x6: {  	s14 =	sadd.s32 $0x3D6E00, s1;
	s9 =	sand.u32 $0x1, s2;
	s2 =	simm.s32 $0x40;
	[tilespmem:s4+$0x10] =	vst v0  }
.LBB2_1:
0x7: {  	s2 =	sadd.s32 $0x40, s2  }
0x8: {  	[tilespmem:s4+$0x0] =	vst v0;
	s4 =	sadd.s32 $0x40, s4;
	p0 =	slt.u32 s2, $0x5040  }
.Ltmp0:
0x9: {  	(pc) =	sbr.rel @p0 .LBB2_1-.Ltmp0, $4  }
0xa: {  	_ = 	snop  }
0xb: {  	[tilespmem:s4+$0x30] =	vst v0  }
0xc: {  	[tilespmem:s4+$0x20] =	vst v0  }
0xd: {  	[tilespmem:s4+$0x10] =	vst v0  }
0xe: {  	s10 =	stileid.u32  }
0xf: {  	s2 =	smul.u32 $0x27A, s10  }
0x10: {  	s3 =	smin.u32 s10, $0xD  }
0x11: {  	s2 =	sadd.s32 s3, s2  }
0x12: {  	p0 =	slt.u32 s10, $0xD;
	s7 =	smul.u32 $0x140, s2;
	s2 =	simm.s32 $0x319C0  }
0x13: {  	s2 =	simm.s32 @!p0 $0x31880  }
0x14: {  	s2 =	sadd.s32 s2, s7  }
0x15: {  	s8 =	smin.u32 s2, $0x319750  }
0x16: {  	s2 =	ssub.s32 s8, s7  }
0x17: {  	s26 =	simm.s32 $0x2;
	s29 =	simm.s32 $0x9;
	p0 =	sgt.s32 s2, $0x0  }
0x18: {  	s30 =	simm.s32 $0xA;
	s31 =	smul.u32 $0x632EA, s9;
	s2 =	simm.s32 @!p0 $0x0  }
0x19: {  	s11 =	simm.s32 $0xB;
	[dreg:$0x4] =	wrdreg s9;
	s28 =	smulhi.u32 $0x66666667, s2  }
0x1a: {  	s12 =	simm.s32 $0x1;
	s18 =	simm.s32 $0x0;
	p1 =	por $0x0, $0x0  }
0x1b: {  	s19 =	simm.s32 $0xC;
	s23 =	simm.s32 $0x0;
	s3 =	sshrl.u32 s28, $0x7  }
0x1c: {  	s20 =	simm.s32 $0x0;
	s22 =	simm.s32 $0x0;
	s5 =	smul.u32 $0x140, s3  }
.Ltmp1:
0x1d: {  	[tilespmem:s4+$0x0] =	vst v0;
	v0 =	vimm.s32 $0xFFFFFFFF;
	[sflag:s26] =	ssyncpa.u1 $0x0;
	s16 =	sshll.u32 s10, $0x7;
	(pc) =	sbr.rel .LBB2_3-.Ltmp1, $4  }
0x1e: {  	[tilespmem:$0xA108] =	vst v0;
	[sflag:s29] =	ssyncpa.u1 $0x0;
	p0 =	sne.s32 s2, s5;
	s2 =	simm.s32 $0x1  }
0x1f: {  	s14 =	sadd.s32 s31, s14;
	[sflag:s30] =	ssyncpa.u1 $0x0;
	s2 =	simm.s32 @!p0 $0x0  }
0x20: {  	s15 =	sadd.s32 s31, s0;
	[sflag:s11] =	ssyncpa.u1 $0x0;
	s13 =	sadd.s32 s2, s3  }
0x21: {  	v0 =	vlaneseq.u32;
	s21 =	smov.u32 s7;
	p0 =	por $0x1, $0x1;
	s17 =	sadd.s32 $0x1, s13  }
.LBB2_24:
0x22: {  	s0 =	sshrl.u32 s0, $0x2  }
.LBB2_26:
0x23: {  	_ =	swait.ge [sflag:s19], s0  }
0x24: {  	s30 =	ssub.s32 $0x0, s0;
	v1 =	vmov s25;
	vm0 =	veq.s32 v0, $0x0;
	[sflag:s19] =	ssyncset.done $0x0  }
0x25: {  	vm15 =	veq.s32 v0, $0x2;
	v1 =	vsel vm0, s31, v1;
	[sflag:s19] =	ssyncadd.s32 s30  }
0x26: {  	v1 =	vsel vm15, s23, v1;
	[sflag:s19] =	ssyncpa.u1 $0x1  }
0x27: {  	[tilespmem:$0xA108] =	vst v1  }
.LBB2_27:
0x28: {  	s0 =	sadd.s32 $0x140, s21  }
0x29: {  	s2 =	smov.u32 s7;
	p2 =	slt.s32 s0, s8  }
0x2a: {  	s2 =	smov.u32 @p2 s0;
	p2 =	sne.s32 s22, s17  }
.Ltmp2:
0x2b: {  	_ = 	snop;
	(pc) =	sbr.rel @!p2 .LBB2_28-.Ltmp2, $4  }
0x2c: {  	_ = 	snop  }
0x2d: {  	s23 =	smov.u32 s20  }
0x2e: {  	s31 =	sadd.s32 $0x1, s22;
	s20 =	smov.u32 s21;
	p0 =	por !p0, !p0  }
0x2f: {  	p1 =	por !p1, !p1;
	s22 =	smov.u32 s31;
	s21 =	smov.u32 s2  }
.LBB2_3:
0x30: {  	p2 =	sge.u32 s22, s13  }
0x31: {  	s0 =	smulhi.u32 @!p2 $0xAAAAAAAB, s22  }
0x32: {  	s2 =	smov.u32 s21;
	p3 =	sgt.s32 @!p2 s21, $0x319610  }
0x33: {  	s3 =	sshra.s32 @!p2 s21, $0x1F;
	p3 =	por !p3, p2;
	s0 =	sshrl.u32 @!p2 s0, $0x1  }
0x34: {  	s3 =	sand.u32 @!p2 s3, s21;
	s2 =	simm.s32 @p3 $0x319610;
	s0 =	smul.u32 @!p2 $0x3, s0  }
0x35: {  	s2 =	ssub.s32 @!p2 s2, s3  }
0x36: {  	s2 =	sadd.s32 @!p2 $0xFFCE69F0, s2;
	s0 =	ssub.s32 @!p2 s22, s0  }
0x37: {  	s3 =	sshll.u32 @!p2 s2, $0x2;
	p3 =	sgt.s32 @!p2 s2, $0x13F;
	s0 =	smul.u32 @!p2 $0x500, s0  }
0x38: {  	s4 =	sand.u32 @!p2 $0x7, s21;
	s2 =	ssub.s32 @!p2 $0x500, s3;
	p3 =	por !p3, p2  }
0x39: {  	s3 =	sshrl.u32 @!p2 s21, $0x3;
	s2 =	sshrl.u32 @!p2 s2, $0x2;
	s0 =	sshrl.u32 @!p2 s0, $0x2  }
0x3a: {  	s3 =	sadd.s32 @!p2 s3, s14;
	s2 =	simm.s32 @!p3 $0x0;
	s0 =	sadd.s32 @!p2 $0xA948, s0  }
0x3b: {  	[tilespmem:s0], [sflag:$0xA] =	stream.linear.gather @!p2 [hbm4b:s3+s4], s2, $0x38;
	[tilespmem:$0x1EF88] =	vst v63  }
0x3c: {  	s4 =	sadd.s32 $0xFFFFFFFF, s22  }
0x3d: {  	p2 =	sge.u32 s4, s13  }
0x3e: {  	p3 =	sgt.s32 @!p2 s20, $0x319610  }
0x3f: {  	s0 =	smov.u32 s20;
	s2 =	sshra.s32 @!p2 s20, $0x1F;
	p3 =	por !p3, p2  }
0x40: {  	s2 =	sand.u32 @!p2 s2, s20;
	s0 =	simm.s32 @p3 $0x319610  }
0x41: {  	s0 =	ssub.s32 @!p2 s0, s2  }
0x42: {  	s0 =	sadd.s32 @!p2 $0xFFCE69F0, s0  }
0x43: {  	s2 =	sshll.u32 @!p2 s0, $0x2  }
0x44: {  	p3 =	sgt.s32 @!p2 s0, $0x13F;
	s0 =	ssub.s32 @!p2 $0x500, s2  }
0x45: {  	p3 =	por !p3, p2;
	s0 =	sshrl.u32 @!p2 s0, $0x2  }
0x46: {  	s3 =	simm.s32 @!p2 $0xA;
	s2 =	sand.u32 @!p2 $0x1, s4;
	s0 =	simm.s32 @!p3 $0x0  }
0x47: {  	s2 =	smul.u32 @!p2 $0x500, s2;
	_ =	swait.ge @!p2 [sflag:s3], s0  }
0x48: {  	s5 =	ssub.s32 @!p2 $0x0, s0;
	[sflag:s3] =	ssyncset.done @!p2 $0x0  }
0x49: {  	s2 =	sshrl.u32 @!p2 s2, $0x2;
	[sflag:s3] =	ssyncadd.s32 @!p2 s5;
	s3 =	sshrl.u32 @!p2 s20, $0x3  }
0x4a: {  	s2 =	sadd.s32 @!p2 $0xAD08, s2;
	s5 =	sand.u32 @!p2 $0x7, s20;
	s3 =	sadd.s32 @!p2 s3, s15  }
0x4b: {  	[tilespmem:s2], [sflag:$0xB] =	stream.linear.gather @!p2 [hbm4b:s3+s5], s0, $0x38;
	[tilespmem:$0x1EF88] =	vst v63  }
0x4c: {  	s0 =	ssub.s32 @!p2 $0x319750, s20  }
0x4d: {  	p3 =	slt.s32 @!p2 s0, $0x1  }
0x4e: {  	p3 =	por p2, p3  }
.Ltmp3:
0x4f: {  	_ = 	snop;
	(pc) =	sbr.rel @p3 .LBB2_9-.Ltmp3, $1  }
0x50: {  	_ =	sdelay $0x3  }
0x51: {  	s2 =	smulhi.u32 $0xAAAAAAAB, s4;
	_ =	sdelay $0x1  }
0x52: {  	s2 =	sshrl.u32 s2, $0x1  }
0x53: {  	s2 =	smul.u32 $0x3, s2;
	_ =	sdelay $0x1  }
0x54: {  	s2 =	ssub.s32 s4, s2  }
0x55: {  	s3 =	simm.s32 $0x1;
	s2 =	smul.u32 $0x500, s2  }
.Ltmp4:
0x56: {  	s3 =	simm.s32 @!p0 $0x0;
	(pc) =	sbr.rel .LBB2_6-.Ltmp4, $4  }
0x57: {  	s3 =	smul.u32 $0x28000, s3  }
0x58: {  	p3 =	slt.s32 @!p2 s0, $0x140;
	s2 =	sshrl.u32 s2, $0x2  }
0x59: {  	p2 =	por !p3, p2;
	s3 =	sshrl.u32 s3, $0x2;
	s2 =	sadd.s32 $0xA948, s2  }
0x5a: {  	s24 =	simm.s32 $0x0;
	s0 =	simm.s32 @p2 $0x140;
	s4 =	sadd.s32 $0xAF88, s3;
	v1 =	vmov s2  }
.LBB2_5:
0x5b: {  	p2 =	sge.s32 s24, s0  }
.Ltmp5:
0x5c: {  	_ = 	snop;
	(pc) =	sbr.rel @p2 .LBB2_9-.Ltmp5, $2  }
0x5d: {  	_ =	sdelay $0x2  }
0x5e: {  	s4 =	sadd.s32 $0x800, s4  }
.LBB2_6:
0x5f: {  	p2 =	sle.s32 s0, s24  }
.Ltmp6:
0x60: {  	_ = 	snop;
	(pc) =	sbr.rel @p2 .LBB2_5-.Ltmp6, $2  }
0x61: {  	_ =	sdelay $0x2  }
0x62: {  	s5 =	smov.u32 s24;
	s24 =	sadd.s32 $0x10, s24  }
0x63: {  	s2 =	ssub.s32 s0, s5  }
0x64: {  	p2 =	slt.s32 s2, $0x10  }
0x65: {  	s2 =	simm.s32 @!p2 $0x10  }
0x66: {  	v2 =	vmov s2  }
0x67: {  	vm0 =	vgt.s32 v2, v0;
	_ =	sdelay $0x5  }
0x68: {  	v2 =	vld.idx.msk [tilespmem:v1+s5+$0x0 ss:$0x1], vm0;
	_ =	sdelay $0x2  }
0x69: {  	p2 =	slt.s32 s24, s0;
	s2 =	smov.u32 s0  }
0x6a: {  	s3 =	smov.u32 s4;
	s25 =	simm.s32 $0x0;
	s2 =	smov.u32 @p2 s24  }
.LBB2_8:
0x6b: {  	(v2sf) =	vpush v2, s25;
	_ =	sdelay $0xc  }
0x6c: {  	s25 =	sadd.s32 $0x1, s25  }
0x6d: {  	s31 =	sadd.s32 s25, s5  }
0x6e: {  	p2 =	slt.s32 s31, s2;
	s9 =	spop (v2sf)  }
.Ltmp7:
0x6f: {  	s9 =	sshll.u32 s9, $0x4;
	(pc) =	sbr.rel @p2 .LBB2_8-.Ltmp7, $4  }
0x70: {  	s9 =	sand.u32 $0x1FFFFFF0, s9  }
0x71: {  	s9 =	sadd.s32 s6, s9  }
0x72: {  	[tilespmem:s3], [sflag:$0x9] =	stream.linear.gather [hbm4b:s9+s18], $0x40, $0x38;
	[tilespmem:$0x1EF88] =	vst v63  }
0x73: {  	s3 =	sadd.s32 $0x80, s3  }
.Ltmp8:
0x74: {  	_ = 	snop;
	(pc) =	sbr.rel .LBB2_5-.Ltmp8, $1  }
0x75: {  	_ =	sdelay $0x3  }
.LBB2_9:
0x76: {  	p2 =	slt.u32 s22, $0x2  }
.Ltmp9:
0x77: {  	_ = 	snop;
	(pc) =	sbr.rel @p2 .LBB2_27-.Ltmp9, $1  }
0x78: {  	_ =	sdelay $0x3  }
0x79: {  	p2 =	sgt.s32 s23, $0x319610  }
0x7a: {  	s0 =	smov.u32 s23;
	s2 =	sshra.s32 s23, $0x1F;
	s3 =	ssub.s32 $0x319750, s23  }
0x7b: {  	s0 =	simm.s32 @!p2 $0x319610;
	s2 =	sand.u32 s2, s23;
	p2 =	slt.s32 s3, $0x140  }
0x7c: {  	s0 =	ssub.s32 s0, s2;
	s3 =	simm.s32 @!p2 $0x140  }
0x7d: {  	s0 =	sadd.s32 $0xFFCE69F0, s0;
	s10 =	sshll.u32 s3, $0x6  }
0x7e: {  	s26 =	simm.s32 $0x9;
	s24 =	sshll.u32 s0, $0x2;
	s2 =	sand.u32 $0x3FFFFFC0, s10  }
0x7f: {  	p2 =	sgt.s32 s0, $0x13F;
	s25 =	ssub.s32 $0x500, s24;
	_ =	swait.ge [sflag:s26], s2  }
0x80: {  	s2 =	ssub.s32 $0x0, s2;
	[sflag:s26] =	ssyncset.done $0x0;
	s0 =	sshrl.u32 s25, $0x2  }
0x81: {  	[sflag:s26] =	ssyncadd.s32 s2;
	s0 =	simm.s32 @p2 $0x0  }
0x82: {  	_ =	swait.ge [sflag:s11], s0  }
0x83: {  	s0 =	ssub.s32 $0x0, s0;
	[sflag:s11] =	ssyncset.done $0x0  }
0x84: {  	[sflag:s11] =	ssyncadd.s32 s0  }
0x85: {  	v1 =	vld [tilespmem:$0xA108];
	_ =	sdelay $0x4  }
0x86: {  	(v2sf) =	vpush v1, $0x0  }
0x87: {  	(v2sf) =	vpush v1, $0x1  }
0x88: {  	(v2sf) =	vpush v1, $0x2;
	_ =	sdelay $0x3  }
0x89: {  	s0 =	sadd.s32 $0x140, s23  }
0x8a: {  	s2 =	ssub.s32 $0x632EA0, s23;
	p2 =	slt.s32 s8, s0  }
0x8b: {  	s0 =	smov.u32 @p2 s8;
	p2 =	sgt.s32 s2, $0x0  }
0x8c: {  	s0 =	ssub.s32 s0, s23;
	s2 =	simm.s32 @!p2 $0x0  }
0x8d: {  	p2 =	slt.s32 s2, s0  }
0x8e: {  	s0 =	smov.u32 @p2 s2  }
0x8f: {  	s26 =	simm.s32 $0x1;
	p2 =	slt.s32 s0, $0x1  }
.Ltmp10:
0x90: {  	s26 =	simm.s32 @!p1 $0x0;
	(pc) =	sbr.rel @p2 .LBB2_14-.Ltmp10, $4  }
0x91: {  	s30 =	smul.u32 $0x500, s26  }
0x92: {  	s28 =	spop (v2sf)  }
0x93: {  	s31 =	sshrl.u32 s30, $0x2;
	s29 =	spop (v2sf)  }
0x94: {  	s24 =	sadd.s32 $0xAD08, s31;
	s23 =	spop (v2sf)  }
0x95: {  	s2 =	smin.u32 s0, $0x10  }
0x96: {  	v1 =	vmov s2  }
0x97: {  	p3 =	sgt.s32 s0, $0x10;
	vm1 =	vgt.u32 v1, v0  }
.Ltmp11:
0x98: {  	_ = 	snop;
	(pc) =	sbr.rel @!p3 .LBB2_13-.Ltmp11, $2  }
0x99: {  	_ =	sdelay $0x2  }
0x9a: {  	s5 =	simm.s32 $0x10;
	s25 =	sadd.s32 $0xFFFFFFF0, s0;
	s4 =	smov.u32 s24;
	vm0 =	vmmov vm1  }
.LBB2_12:
0x9b: {  	s2 =	smin.u32 s25, $0x10;
	s5 =	sadd.s32 $0x10, s5;
	v1 =	vld.msk [tilespmem:s4+$0x0 ss:$0x1], vm1  }
0x9c: {  	v2 =	vmov s2;
	p3 =	slt.s32 s5, s0  }
0x9d: {  	vm1 =	vgt.u32 v2, v0  }
.Ltmp12:
0x9e: {  	(pc) =	sbr.rel @p3 .LBB2_12-.Ltmp12, $3  }
0x9f: {  	_ =	sdelay $0x1  }
0xa0: {  	v1 =	vshll.u32 v1, $0x4  }
0xa1: {  	s25 =	sadd.s32 $0xFFFFFFF0, s25;
	[tilespmem:s4+$0x0] =	vst.msk vm0, v1;
	s4 =	sadd.s32 $0x10, s4;
	vm0 =	vmmov vm1  }
.LBB2_13:
0xa2: {  	_ =	sdelay $0x4  }
0xa3: {  	v1 =	vld.msk [tilespmem:s4+$0x0 ss:$0x1], vm1;
	_ =	sdelay $0x4  }
0xa4: {  	v1 =	vshll.u32 v1, $0x4  }
0xa5: {  	[tilespmem:s4+$0x0] =	vst.msk vm0, v1  }
.LBB2_14:
0xa6: {  	s2 =	sand.u32 $0x1, s22  }
0xa7: {  	s2 =	smul.u32 $0x140, s2  }
0xa8: {  	p3 =	sne.s32 s29, $0xFFFFFFFF  }
0xa9: {  	v1 =	vld.msk @!p3 [tilespmem:s2+$0xAD08], $0x1;
	_ =	sdelay $0x4  }
0xaa: {  	(v2sf) =	vpush @!p3 v1, $0x0;
	_ =	sdelay $0xc  }
.Ltmp13:
0xab: {  	_ = 	snop;
	(pc) =	sbr.rel @p2 .LBB2_25-.Ltmp13, $4  }
0xac: {  	_ = 	snop  }
0xad: {  	s30 =	spop @!p3 (v2sf)  }
0xae: {  	s23 =	simm.s32 @!p3 $0x0;
	s25 =	smov.u32 s30  }
0xaf: {  	[sflag:s19] =	ssyncpa.u1 $0x0;
	s30 =	smov.u32 @p3 s28;
	s25 =	smov.u32 @p3 s29  }
0xb0: {  	v1 =	vld.msk [tilespmem:s24+$0x0], $0x1;
	_ =	sdelay $0x4  }
0xb1: {  	(v2sf) =	vpush v1, $0x0;
	_ =	sdelay $0xe  }
0xb2: {  	s2 =	smul.u32 $0x28000, s26;
	s4 =	spop (v2sf)  }
0xb3: {  	s28 =	ssub.s32 $0x0, s0;
	p2 =	seq.s32 s30, s4  }
0xb4: {  	s0 =	sadd.s32 $0x1, s28;
	s2 =	sshrl.u32 s2, $0x2;
	p3 =	sgt.s32 @!p2 s30, $0x0  }
0xb5: {  	s26 =	sadd.s32 $0xAFA8, s2;
	s2 =	smov.u32 s30;
	p3 =	por !p3, p2  }
0xb6: {  	s2 =	simm.s32 @p3 $0x0;
	p3 =	seq.s32 s0, $0x0  }
.Ltmp14:
0xb7: {  	_ = 	snop;
	(pc) =	sbr.rel @p3 .LBB2_17-.Ltmp14, $4  }
0xb8: {  	_ = 	snop  }
0xb9: {  	s29 =	simm.s32 $0x0;
	s5 =	simm.s32 @!p2 $0x1;
	s3 =	smin.u32 @!p2 s2, $0x1869F8  }
0xba: {  	s31 =	sadd.s32 $0x1, s24;
	s5 =	smov.u32 @p2 s29;
	s9 =	sand.u32 @!p2 $0x1FFFF8, s3  }
0xbb: {  	s2 =	simm.s32 @!p2 $0x50C8;
	s3 =	sand.u32 @!p2 $0x7, s3;
	s9 =	sadd.s32 @!p2 s1, s9  }
.LBB2_16:
0xbc: {  	s10 =	smov.u32 s5  }
0xbd: {  	[tilespmem:s2], [sflag:$0x2] =	stream.linear.gather @!p2 [hbm4b:s9+s3], $0x40, $0x38;
	[tilespmem:$0x1EF88] =	vst v63  }
0xbe: {  	s0 =	sadd.s32 $0x1, s0;
	s3 =	smov.u32 s4;
	v1 =	vld.msk [tilespmem:s31+$0x0], $0x1  }
0xbf: {  	p3 =	seq.s32 s0, $0x0;
	_ =	sdelay $0x3  }
0xc0: {  	(v2sf) =	vpush v1, $0x0;
	_ =	sdelay $0xe  }
0xc1: {  	s4 =	spop (v2sf)  }
0xc2: {  	p2 =	seq.s32 s3, s4  }
0xc3: {  	p4 =	sgt.s32 @!p2 s3, $0x0;
	s2 =	sshll.u32 @!p2 s5, $0x8;
	s5 =	sadd.s32 @!p2 $0x1, s5  }
.Ltmp15:
0xc4: {  	p4 =	por !p4, p2;
	s2 =	sshra.s32 @!p2 s2, $0x2;
	(pc) =	sbr.rel @!p3 .LBB2_16-.Ltmp15, $4  }
0xc5: {  	s5 =	smov.u32 @p2 s10;
	s3 =	simm.s32 @p4 $0x0;
	s2 =	sadd.s32 @!p2 $0x50C8, s2  }
0xc6: {  	s3 =	smin.u32 @!p2 s3, $0x1869F8  }
0xc7: {  	s9 =	sand.u32 @!p2 $0x1FFFF8, s3;
	s3 =	sand.u32 @!p2 $0x7, s3  }
0xc8: {  	s31 =	sadd.s32 $0x1, s31;
	s9 =	sadd.s32 @!p2 s1, s9  }
.LBB2_17:
0xc9: {  	[tilespmem:s2], [sflag:$0x2] =	stream.linear.gather @!p2 [hbm4b:s9+s3], $0x40, $0x38;
	[tilespmem:$0x1EF88] =	vst v63  }
.Ltmp16:
0xca: {  	s0 =	sshll.u32 s5, $0x6;
	(pc) =	sbr.rel .LBB2_18-.Ltmp16, $4  }
0xcb: {  	s31 =	simm.s32 $0x2;
	s0 =	sand.u32 $0x3FFFFFC0, s0  }
0xcc: {  	_ =	swait.ge [sflag:s31], s0  }
0xcd: {  	s0 =	ssub.s32 $0x0, s0;
	[sflag:s31] =	ssyncset.done $0x0  }
0xce: {  	[sflag:s31] =	ssyncadd.s32 s0;
	s0 =	simm.s32 $0x0  }
.LBB2_19:
0xcf: {  	v1 =	vld [tilespmem:s26+$0xFFFFFFE0];
	_ =	sdelay $0x4  }
0xd0: {  	[tilespmem:s4+$0x88] =	vst.add.f32.msk $0xffff, v1  }
0xd1: {  	v1 =	vld [tilespmem:s26+$0xFFFFFFF0];
	_ =	sdelay $0x4  }
0xd2: {  	[tilespmem:s4+$0x98] =	vst.add.f32.msk $0xffff, v1  }
0xd3: {  	v1 =	vld [tilespmem:s26+$0x0];
	_ =	sdelay $0x4  }
0xd4: {  	[tilespmem:s4+$0xA8] =	vst.add.f32.msk $0xffff, v1  }
0xd5: {  	v1 =	vld [tilespmem:s26+$0x10];
	_ =	sdelay $0x4  }
0xd6: {  	[tilespmem:s4+$0xB8] =	vst.add.f32.msk $0xffff, v1  }
.LBB2_23:
0xd7: {  	s28 =	sadd.s32 $0x1, s28  }
0xd8: {  	p2 =	seq.s32 s28, $0x0  }
.Ltmp17:
0xd9: {  	_ = 	snop;
	(pc) =	sbr.rel @p2 .LBB2_24-.Ltmp17, $2  }
0xda: {  	_ =	sdelay $0x2  }
0xdb: {  	s26 =	sadd.s32 $0x80, s26;
	s24 =	sadd.s32 $0x1, s24;
	s30 =	smov.u32 s31  }
.LBB2_18:
0xdc: {  	v1 =	vld.msk [tilespmem:s24+$0x0], $0x1;
	_ =	sdelay $0x4  }
0xdd: {  	(v2sf) =	vpush v1, $0x0;
	_ =	sdelay $0xe  }
0xde: {  	s31 =	spop (v2sf)  }
0xdf: {  	p2 =	sne.s32 s30, s31  }
.Ltmp18:
0xe0: {  	_ = 	snop;
	(pc) =	sbr.rel @!p2 .LBB2_19-.Ltmp18, $3  }
0xe1: {  	_ =	sdelay $0x1  }
0xe2: {  	s2 =	sshll.u32 s23, $0x8  }
0xe3: {  	s4 =	sshra.s32 s2, $0x2  }
0xe4: {  	p2 =	seq.s32 s30, s25  }
.Ltmp19:
0xe5: {  	_ = 	snop;
	(pc) =	sbr.rel @!p2 .LBB2_21-.Ltmp19, $1  }
0xe6: {  	_ =	sdelay $0x3  }
.Ltmp20:
0xe7: {  	s2 =	sadd.s32 $0x88, s4;
	(pc) =	sbr.rel .LBB2_22-.Ltmp20, $4  }
0xe8: {  	[spmem:s16] =	stream.linear.scatter [tilespmem:s2], [sflag:$0x1], $0x40, $0x38;
	[tilespmem:$0x1EF88] =	vst v63  }
0xe9: {  	_ =	swait.ge [sflag:s12], $0x40  }
0xea: {  	[sflag:s12] =	ssyncset.done $0x0  }
0xeb: {  	[sflag:s12] =	ssyncadd.s32 $0xFFFFFFC0  }
.LBB2_21:
0xec: {  	s2 =	sshll.u32 s29, $0x8  }
0xed: {  	s2 =	sshra.s32 s2, $0x2  }
0xee: {  	v1 =	vld [tilespmem:s2+$0x50C8];
	_ =	sdelay $0x4  }
0xef: {  	[tilespmem:s4+$0x88] =	vst.add.f32.msk $0xffff, v1  }
0xf0: {  	v1 =	vld [tilespmem:s2+$0x50D8];
	_ =	sdelay $0x4  }
0xf1: {  	[tilespmem:s4+$0x98] =	vst.add.f32.msk $0xffff, v1  }
0xf2: {  	v1 =	vld [tilespmem:s2+$0x50E8];
	_ =	sdelay $0x4  }
0xf3: {  	[tilespmem:s4+$0xA8] =	vst.add.f32.msk $0xffff, v1  }
0xf4: {  	v1 =	vld [tilespmem:s2+$0x50F8];
	_ =	sdelay $0x2  }
0xf5: {  	p2 =	sgt.u32 s30, $0x1869F8  }
0xf6: {  	s2 =	sand.u32 @!p2 $0x1FFFF8, s30  }
0xf7: {  	s3 =	sadd.s32 $0x88, s4;
	s2 =	sadd.s32 @!p2 s1, s2;
	[tilespmem:s4+$0xB8] =	vst.add.f32.msk $0xffff, v1;
	s4 =	sand.u32 @!p2 $0x7, s30  }
0xf8: {  	[hbm4b:s2+s4] =	stream.linear.scatter @!p2 [tilespmem:s3], [sflag:$0xC], $0x40, $0x38;
	[tilespmem:$0x1EF88] =	vst v63  }
0xf9: {  	s2 =	simm.s32 $0x0  }
0xfa: {  	s2 =	simm.s32 @!p2 $0x100  }
0xfb: {  	s0 =	sadd.s32 s2, s0  }
.LBB2_22:
0xfc: {  	s2 =	sadd.s32 $0x1, s23  }
0xfd: {  	s3 =	smulhi.u32 $0xCCCCCCCD, s2;
	_ =	sdelay $0x1  }
0xfe: {  	v1 =	vld [tilespmem:s26+$0xFFFFFFE0];
	s3 =	sshrl.u32 s3, $0x8  }
0xff: {  	s3 =	smul.u32 $0x140, s3;
	_ =	sdelay $0x1  }
0x100: {  	s23 =	ssub.s32 s2, s3  }
0x101: {  	s2 =	sshll.u32 s23, $0x6  }
0x102: {  	[tilespmem:s2+$0x88] =	vst v1  }
0x103: {  	v1 =	vld [tilespmem:s26+$0xFFFFFFF0];
	_ =	sdelay $0x4  }
0x104: {  	[tilespmem:s2+$0x98] =	vst v1  }
0x105: {  	v1 =	vld [tilespmem:s26+$0x0];
	_ =	sdelay $0x4  }
0x106: {  	[tilespmem:s2+$0xA8] =	vst v1  }
0x107: {  	v1 =	vld [tilespmem:s26+$0x10]  }
.Ltmp21:
0x108: {  	_ = 	snop;
	(pc) =	sbr.rel .LBB2_23-.Ltmp21, $2  }
0x109: {  	_ =	sdelay $0x2  }
0x10a: {  	s29 =	sadd.s32 $0x1, s29;
	[tilespmem:s2+$0xB8] =	vst v1  }
.LBB2_25:
.Ltmp22:
0x10b: {  	(pc) =	sbr.rel .LBB2_26-.Ltmp22, $4  }
0x10c: {  	_ = 	snop  }
0x10d: {  	s0 =	simm.s32 $0x2  }
0x10e: {  	_ =	swait.ge [sflag:s0], $0x0  }
0x10f: {  	s31 =	smov.u32 s30;
	[sflag:s0] =	ssyncset.done $0x0;
	s0 =	simm.s32 $0x0  }
.LBB2_28:
0x110: {  	_ =	sfence.sel $0x180000  }
0x111: {  	s0 =	simm.s32 $0x9;
	[bflag:$0x0] =	sbarrier.arrive $0xFFFF  }
0x112: {  	s24 =	simm.s32 $0xA;
	[sflag:s0] =	ssyncpa.u1 $0x1  }
0x113: {  	s25 =	simm.s32 $0xB;
	[sflag:s24] =	ssyncpa.u1 $0x1  }
0x114: {  	s26 =	simm.s32 $0x2;
	[sflag:s25] =	ssyncpa.u1 $0x1  }
0x115: {  	[sflag:s26] =	ssyncpa.u1 $0x1  }
0x116: {  	v0 =	vld [tilespmem:$0xA108];
	_ =	sdelay $0x4  }
0x117: {  	(v2sf) =	vpush v0, $0x0  }
0x118: {  	(v2sf) =	vpush v0, $0x1;
	_ =	sdelay $0x1  }
0x119: {  	(v2sf) =	vpush v0, $0x2;
	_ =	sdelay $0xb  }
0x11a: {  	s0 =	spop (v2sf)  }
0x11b: {  	s2 =	spop (v2sf)  }
0x11c: {  	s3 =	smov.u32 s0;
	p0 =	sne.s32 s0, s2  }
0x11d: {  	s4 =	spop (v2sf);
	s3 =	simm.s32 @!p0 $0xFFFFFFFF  }
0x11e: {  	v2 =	vimm.s32 $0x1;
	v3 =	vlaneseq.u32;
	p0 =	seq.s32 s4, $0xFFFFFFFF;
	v1 =	vmov s3  }
0x11f: {  	s15 =	stileid.u32;
	v0 =	vperm.xlane v0, v2;
	p1 =	sne.s32 @!p0 s0, s2;
	v1 =	vperm.xlane v1, v3  }
0x120: {  	vm0 =	vcmask $0x3F04;
	s6 =	simm.s32 $0xA108;
	s0 =	simm.s32 @!p0 $0x1;
	p1 =	por !p1, p0  }
0x121: {  	s3 =	sshll.u32 s15, $0x1;
	s2 =	sshll.u32 @!p0 s4, $0x8;
	s0 =	simm.s32 @p1 $0x0;
	v0 =	vsel vm0, v1, v0  }
0x122: {  	s5 =	sor.u32 $0x800, s3;
	s2 =	sshra.s32 @!p0 s2, $0x2;
	s0 =	sor.u32 @!p0 s0, s3;
	[tilespmem:$0xA108] =	vst v0  }
0x123: {  	[spmem:s5] =	stream.linear.scatter [tilespmem:s6], [sflag:$0x1], $0x2, $0x38;
	[tilespmem:$0x1EF88] =	vst v63  }
0x124: {  	s2 =	sadd.s32 @!p0 $0x88, s2;
	s0 =	sshll.u32 @!p0 s0, $0x6  }
0x125: {  	[spmem:s0] =	stream.linear.scatter @!p0 [tilespmem:s2], [sflag:$0x1], $0x40, $0x38;
	[tilespmem:$0x1EF88] =	vst v63  }
0x126: {  	s0 =	simm.s32 @!p0 $0x42  }
0x127: {  	s28 =	simm.s32 $0x1;
	s0 =	simm.s32 @p0 $0x2  }
0x128: {  	_ =	swait.ge [sflag:s28], s0  }
0x129: {  	s0 =	ssub.s32 $0x0, s0;
	[sflag:s28] =	ssyncset.done $0x0  }
0x12a: {  	p0 =	sne.s32 s15, $0x0;
	[sflag:s28] =	ssyncadd.s32 s0  }
.Ltmp23:
0x12b: {  	_ =	sfence.stream.spmem;
	(pc) =	sbr.rel @p0 .LBB2_45-.Ltmp23, $4  }
0x12c: {  	s29 =	simm.s32 $0x3;
	[bflag:$0x0] =	sbarrier.arrive $0xFFFF  }
0x12d: {  	s30 =	simm.s32 $0x4;
	[sflag:s29] =	ssyncpa.u1 $0x1  }
0x12e: {  	s31 =	simm.s32 $0x3C;
	[sflag:s30] =	ssyncpa.u1 $0x1  }
0x12f: {  	s14 =	rddreg [dreg:$0x4];
	[sflag:s31] =	ssyncpa.u1 $0x1  }
0x130: {  	_ =	sfence.stream.spmem;
	s0 =	simm.s32 $0x5  }
0x131: {  	s2 =	simm.s32 $0x800;
	s3 =	simm.s32 $0xA118;
	[sflag:s0] =	ssyncpa.u1 $0x0  }
0x132: {  	[tilespmem:s3], [sflag:$0x5] =	stream.linear.gather [spmem:s2], $0x20, $0x38;
	[tilespmem:$0x1EF88] =	vst v63  }
0x133: {  	s26 =	simm.s32 $0x0;
	s28 =	simm.s32 $0xA138  }
0x134: {  	[tilespmem:s28], [sflag:$0x5] =	stream.linear.gather [spmem:s26], $0x800, $0x38;
	[tilespmem:$0x1EF88] =	vst v63  }
0x135: {  	_ =	swait.ge [sflag:s0], $0x820  }
0x136: {  	[sflag:s0] =	ssyncset.done $0x0  }
0x137: {  	s29 =	simm.s32 $0x0;
	[sflag:s0] =	ssyncadd.s32 $0xFFFFF7E0  }
0x138: {  	v0 =	vld.msk [tilespmem:s29+$0xA118], $0x1;
	_ =	sdelay $0x1  }
0x139: {  	s30 =	simm.s32 $0x1  }
0x13a: {  	v1 =	vld.msk [tilespmem:s30+$0xA118], $0x1;
	_ =	sdelay $0x1  }
0x13b: {  	(v2sf) =	vpush v0, $0x0;
	_ =	sdelay $0x2  }
0x13c: {  	(v2sf) =	vpush v1, $0x0;
	_ =	sdelay $0x2  }
0x13d: {  	s31 =	simm.s32 $0x2  }
0x13e: {  	v0 =	vld.msk [tilespmem:s31+$0xA118], $0x1;
	_ =	sdelay $0x2  }
0x13f: {  	s4 =	simm.s32 $0xFFFFFFFF;
	s2 =	simm.s32 $0xFFFFFFFF;
	s0 =	simm.s32 $0xC  }
.LBB2_30:
0x140: {  	s3 =	smov.u32 s4;
	s5 =	smov.u32 s2  }
0x141: {  	s2 =	sshra.s32 s0, $0x2;
	p1 =	sne.s32 s0, $0x7C;
	s0 =	sadd.s32 $0x4, s0;
	(v2sf) =	vpush v0, $0x0  }
0x142: {  	v0 =	vld.msk [tilespmem:s2+$0xA118], $0x1  }
.Ltmp24:
0x143: {  	(pc) =	sbr.rel @p1 .LBB2_30-.Ltmp24, $4  }
0x144: {  	s4 =	spop (v2sf)  }
0x145: {  	p2 =	sne.s32 s5, $0xFFFFFFFF;
	s2 =	smov.u32 s4  }
0x146: {  	p3 =	seq.s32 s4, $0xFFFFFFFF;
	s2 =	smov.u32 @p2 s5  }
0x147: {  	s4 =	smov.u32 @p3 s3;
	s2 =	smov.u32 @p3 s5  }
0x148: {  	(v2sf) =	vpush v0, $0x0;
	_ =	sdelay $0x8  }
0x149: {  	s0 =	spop (v2sf)  }
0x14a: {  	p1 =	sne.s32 s2, $0xFFFFFFFF;
	s3 =	smov.u32 s0  }
0x14b: {  	s9 =	simm.s32 $0x6;
	p2 =	seq.s32 s0, $0xFFFFFFFF;
	s3 =	smov.u32 @p1 s2  }
0x14c: {  	s6 =	simm.s32 $0x0;
	s3 =	smov.u32 @p2 s2;
	s2 =	spop (v2sf)  }
0x14d: {  	s0 =	smov.u32 @p2 s4;
	p1 =	sne.s32 s3, $0xFFFFFFFF;
	s5 =	smov.u32 s2  }
.Ltmp25:
0x14e: {  	p2 =	seq.s32 s2, $0xFFFFFFFF;
	s5 =	smov.u32 @p1 s3;
	(pc) =	sbr.rel .LBB2_32-.Ltmp25, $4  }
0x14f: {  	s10 =	simm.s32 $0xA0C8;
	s5 =	smov.u32 @p2 s3;
	s7 =	spop (v2sf)  }
0x150: {  	s11 =	simm.s32 $0x0;
	p1 =	sne.s32 s5, $0xFFFFFFFF;
	s8 =	smov.u32 s7  }
0x151: {  	s2 =	smov.u32 @p2 s0;
	p2 =	seq.s32 s7, $0xFFFFFFFF;
	s8 =	smov.u32 @p1 s5  }
0x152: {  	[sflag:s9] =	ssyncpa.u1 $0x0;
	s7 =	smov.u32 @p2 s2;
	s8 =	smov.u32 @p2 s5  }
.LBB2_38:
0x153: {  	p1 =	sgt.u32 s12, $0x1869F8  }
0x154: {  	p2 =	seq.s32 @!p1 s12, s8  }
0x155: {  	p1 =	por p1, p2  }
0x156: {  	p2 =	sne.s32 @!p1 s12, s7  }
0x157: {  	p1 =	por p1, !p2  }
0x158: {  	s0 =	sshll.u32 @p1 s11, $0x8  }
0x159: {  	s0 =	sand.u32 @!p1 $0x1FFFF8, s12  }
0x15a: {  	s2 =	sand.u32 @!p1 $0x7, s12;
	s0 =	sadd.s32 @!p1 s1, s0  }
0x15b: {  	[tilespmem:s10], [sflag:$0x6] =	stream.linear.gather @!p1 [hbm4b:s0+s2], $0x40, $0x38;
	[tilespmem:$0x1EF88] =	vst v63  }
0x15c: {  	_ =	swait.ge @!p1 [sflag:s9], $0x40  }
0x15d: {  	[sflag:s9] =	ssyncset.done @!p1 $0x0  }
0x15e: {  	[sflag:s9] =	ssyncadd.s32 @!p1 $0xFFFFFFC0  }
0x15f: {  	v1 =	vld @!p1 [tilespmem:$0xA0C8];
	_ =	sdelay $0x2  }
0x160: {  	s0 =	sshll.u32 @!p1 s11, $0x8  }
0x161: {  	s2 =	sshrl.u32 @!p1 s0, $0x2  }
0x162: {  	[tilespmem:s2+$0xA138] =	vst.add.f32.msk @!p1 $0xffff, v1  }
0x163: {  	v1 =	vld @!p1 [tilespmem:$0xA0D8];
	_ =	sdelay $0x4  }
0x164: {  	[tilespmem:s2+$0xA148] =	vst.add.f32.msk @!p1 $0xffff, v1  }
0x165: {  	v1 =	vld @!p1 [tilespmem:$0xA0E8];
	_ =	sdelay $0x4  }
0x166: {  	[tilespmem:s2+$0xA158] =	vst.add.f32.msk @!p1 $0xffff, v1  }
0x167: {  	v1 =	vld @!p1 [tilespmem:$0xA0F8];
	_ =	sdelay $0x4  }
0x168: {  	[tilespmem:s2+$0xA168] =	vst.add.f32.msk @!p1 $0xffff, v1  }
0x169: {  	s0 =	sshrl.u32 s0, $0x2;
	[tilespmem:s6+$0xA118] =	vst.msk $0x1, v0  }
0x16a: {  	v0 =	vld [tilespmem:s0+$0xA138];
	_ =	sdelay $0x2  }
0x16b: {  	s31 =	sshll.u32 s6, $0x8  }
0x16c: {  	s2 =	sshra.s32 s31, $0x2  }
0x16d: {  	[tilespmem:s2+$0xA138] =	vst v0  }
0x16e: {  	v0 =	vld [tilespmem:s0+$0xA148];
	_ =	sdelay $0x4  }
0x16f: {  	[tilespmem:s2+$0xA148] =	vst v0  }
0x170: {  	v0 =	vld [tilespmem:s0+$0xA158];
	_ =	sdelay $0x4  }
0x171: {  	[tilespmem:s2+$0xA158] =	vst v0  }
0x172: {  	v0 =	vld [tilespmem:s0+$0xA168];
	_ =	sdelay $0x4  }
0x173: {  	s6 =	sadd.s32 $0x1, s6;
	[tilespmem:s2+$0xA168] =	vst v0  }
.LBB2_39:
0x174: {  	s11 =	sadd.s32 $0x1, s11  }
0x175: {  	p1 =	sne.s32 s11, $0x20  }
.Ltmp26:
0x176: {  	_ = 	snop;
	(pc) =	sbr.rel @!p1 .LBB2_40-.Ltmp26, $1  }
0x177: {  	_ =	sdelay $0x3  }
.LBB2_32:
0x178: {  	v0 =	vld.msk [tilespmem:s11+$0xA118], $0x1;
	_ =	sdelay $0x4  }
0x179: {  	(v2sf) =	vpush v0, $0x0;
	_ =	sdelay $0xe  }
0x17a: {  	s12 =	spop (v2sf)  }
0x17b: {  	p1 =	seq.s32 s12, $0xFFFFFFFF  }
.Ltmp27:
0x17c: {  	_ = 	snop;
	(pc) =	sbr.rel @p1 .LBB2_39-.Ltmp27, $1  }
0x17d: {  	_ =	sdelay $0x3  }
0x17e: {  	p1 =	slt.s32 s6, $0x1  }
.Ltmp28:
0x17f: {  	_ = 	snop;
	(pc) =	sbr.rel @p1 .LBB2_38-.Ltmp28, $1  }
0x180: {  	_ =	sdelay $0x3  }
0x181: {  	s0 =	simm.s32 $0xA118;
	p1 =	por $0x0, $0x0  }
0x182: {  	v1 =	vld.msk @!p1 [tilespmem:s0+$0x0], $0x1;
	_ =	sdelay $0x4  }
0x183: {  	(v2sf) =	vpush @!p1 v1, $0x0;
	_ =	sdelay $0xd  }
0x184: {  	p3 =	sne.s32 s6, $0x1  }
.Ltmp29:
0x185: {  	s2 =	spop @!p1 (v2sf);
	(pc) =	sbr.rel @!p3 .LBB2_36-.Ltmp29, $4  }
0x186: {  	p2 =	seq.s32 @!p1 s12, s2  }
0x187: {  	s13 =	simm.s32 $0x0;
	p2 =	por !p2, p1  }
0x188: {  	s2 =	simm.s32 $0xFFFFFFFF;
	s13 =	simm.s32 @p2 $0xFFFFFFFF  }
0x189: {  	s4 =	simm.s32 $0x1;
	s13 =	smov.u32 @p1 s2  }
.LBB2_35:
0x18a: {  	s2 =	smov.u32 s13;
	p1 =	sne.s32 s13, $0xFFFFFFFF  }
0x18b: {  	s0 =	sadd.s32 $0x1, s0;
	s13 =	smov.u32 s4;
	s4 =	sadd.s32 $0x1, s4  }
0x18c: {  	p2 =	sne.s32 s6, s4;
	v1 =	vld.msk @!p1 [tilespmem:s0+$0x0], $0x1;
	_ =	sdelay $0x4  }
0x18d: {  	(v2sf) =	vpush @!p1 v1, $0x0;
	_ =	sdelay $0xe  }
.Ltmp30:
0x18e: {  	s3 =	spop @!p1 (v2sf);
	(pc) =	sbr.rel @p2 .LBB2_35-.Ltmp30, $4  }
0x18f: {  	p3 =	seq.s32 @!p1 s12, s3  }
0x190: {  	p3 =	por !p3, p1  }
0x191: {  	s13 =	simm.s32 @p3 $0xFFFFFFFF  }
0x192: {  	s13 =	smov.u32 @p1 s2  }
.LBB2_36:
0x193: {  	p1 =	seq.s32 s13, $0xFFFFFFFF  }
.Ltmp31:
0x194: {  	_ = 	snop;
	(pc) =	sbr.rel @p1 .LBB2_38-.Ltmp31, $1  }
0x195: {  	_ =	sdelay $0x3  }
0x196: {  	s0 =	sshll.u32 s11, $0x6  }
0x197: {  	s0 =	sand.u32 $0x3FFFFFC0, s0  }
0x198: {  	v0 =	vld [tilespmem:s0+$0xA138];
	_ =	sdelay $0x2  }
0x199: {  	s2 =	sshll.u32 s13, $0x8  }
0x19a: {  	s2 =	sshra.s32 s2, $0x2  }
0x19b: {  	[tilespmem:s2+$0xA138] =	vst.add.f32.msk $0xffff, v0  }
0x19c: {  	v0 =	vld [tilespmem:s0+$0xA148];
	_ =	sdelay $0x4  }
0x19d: {  	[tilespmem:s2+$0xA148] =	vst.add.f32.msk $0xffff, v0  }
0x19e: {  	v0 =	vld [tilespmem:s0+$0xA158];
	_ =	sdelay $0x4  }
0x19f: {  	[tilespmem:s2+$0xA158] =	vst.add.f32.msk $0xffff, v0  }
0x1a0: {  	v0 =	vld [tilespmem:s0+$0xA168]  }
.Ltmp32:
0x1a1: {  	_ = 	snop;
	(pc) =	sbr.rel .LBB2_39-.Ltmp32, $2  }
0x1a2: {  	_ =	sdelay $0x2  }
0x1a3: {  	[tilespmem:s2+$0xA168] =	vst.add.f32.msk $0xffff, v0  }
.LBB2_40:
0x1a4: {  	s0 =	simm.s32 $0x6;
	p1 =	seq.s32 s6, $0x0  }
0x1a5: {  	[sflag:s0] =	ssyncpa.u1 $0x1;
	v0 =	vimm.s32 @p1 $0xFFFFFFFF  }
0x1a6: {  	s0 =	sadd.s32 $0xFFFFFFFF, s6;
	[tilespmem:$0xA938] =	vst @p1 v0  }
0x1a7: {  	v0 =	vld.msk @!p1 [tilespmem:s0+$0xA118], $0x1;
	_ =	sdelay $0x1  }
0x1a8: {  	v1 =	vld.msk @!p1 [tilespmem:$0xA118], $0x1;
	_ =	sdelay $0x2  }
0x1a9: {  	p2 =	seq.s32 @!p1 s0, $0x0;
	v0 =	vbroadcast @!p1 v0, $0x0  }
0x1aa: {  	vm0 =	vmmov @!p1 $0x1;
	p2 =	por !p2, p1  }
0x1ab: {  	v1 =	vnsel @!p1 vm0, $0xFFFFFFFF, v1;
	vm0 =	vcmask @!p1 $0x308;
	v0 =	vpsel !p2, $0xFFFFFFFF, v0  }
0x1ac: {  	p2 =	sne.s32 @!p1 s8, s7;
	v0 =	vsel @!p1 vm0, v1, v0  }
0x1ad: {  	s2 =	simm.s32 @!p1 $0xA138;
	s3 =	simm.s32 @!p1 $0x0;
	p3 =	por !p2, p1;
	[tilespmem:$0xA938] =	vst @!p1 v0  }
0x1ae: {  	[spmem:s3] =	stream.linear.scatter @!p1 [tilespmem:s2], [sflag:$0x1], $0x40, $0x38;
	[tilespmem:$0x1EF88] =	vst v63  }
0x1af: {  	s2 =	sshll.u32 @!p3 s0, $0x8  }
0x1b0: {  	s2 =	sshra.s32 @!p3 s2, $0x2  }
0x1b1: {  	s3 =	simm.s32 @!p3 $0x40;
	s2 =	sadd.s32 @!p3 $0xA138, s2  }
0x1b2: {  	[spmem:s3] =	stream.linear.scatter @!p3 [tilespmem:s2], [sflag:$0x1], $0x40, $0x38;
	[tilespmem:$0x1EF88] =	vst v63  }
0x1b3: {  	s2 =	simm.s32 @!p3 $0x1  }
0x1b4: {  	_ =	swait.ge @!p3 [sflag:s2], $0x80  }
0x1b5: {  	p1 =	por p2, p1;
	[sflag:s2] =	ssyncset.done @!p3 $0x0  }
0x1b6: {  	[sflag:s2] =	ssyncadd.s32 @!p3 $0xFFFFFF80;
	s2 =	simm.s32 @!p1 $0x1  }
0x1b7: {  	_ =	swait.ge @!p1 [sflag:s2], $0x40  }
0x1b8: {  	s29 =	simm.s32 $0xA938;
	[sflag:s2] =	ssyncset.done @!p1 $0x0  }
0x1b9: {  	s30 =	simm.s32 $0x800;
	s31 =	simm.s32 $0x1;
	[sflag:s2] =	ssyncadd.s32 @!p1 $0xFFFFFFC0  }
0x1ba: {  	[spmem:s30] =	stream.linear.scatter [tilespmem:s29], [sflag:$0x1], $0x10, $0x38;
	[tilespmem:$0x1EF88] =	vst v63  }
0x1bb: {  	_ =	swait.ge [sflag:s31], $0x10  }
0x1bc: {  	[sflag:s31] =	ssyncset.done $0x0  }
0x1bd: {  	p1 =	seq.s32 s14, $0x0;
	s9 =	rddreg [dreg:$0x1];
	[sflag:s31] =	ssyncadd.s32 $0xFFFFFFF0  }
0x1be: {  	s3 =	sshll.u32 @p1 s9, $0xE;
	s8 =	rddreg [dreg:$0x2]  }
0x1bf: {  	s2 =	sadd.s32 @p1 $0x15C3C, s3;
	s3 =	sshll.u32 @p1 s8, $0x11  }
0x1c0: {  	_ =	sfence.stream.spmem;
	s2 =	sor.u32 @p1 s3, s2  }
0x1c1: {  	[sflag:s2] =	ssyncadd.remote.s32 @p1 $0x1;
	s2 =	simm.s32 @p1 $0x4  }
0x1c2: {  	s4 =	simm.s32 @!p1 $0x3C;
	s3 =	sand.u32 $0xFFFFFFFE, s9;
	_ =	swait.ge @p1 [sflag:s2], $0x12  }
0x1c3: {  	s5 =	simm.s32 @!p1 $0x0;
	s3 =	sadd.s32 @!p1 $0x4, s3;
	[sflag:s2] =	ssyncset.done @p1 $0x0  }
0x1c4: {  	s7 =	simm.s32 @!p1 $0x80;
	[sflag:s2] =	ssyncadd.s32 @p1 $0xFFFFFFEE;
	s2 =	sshll.u32 @!p1 s3, $0x1A  }
0x1c5: {  	s3 =	sshll.u32 @!p1 s3, $0xD;
	s2 =	sor.u32 @!p1 s2, s8;
	_ =	swait.eq @!p1 [sflag:s4], $0x1  }
0x1c6: {  	s3 =	sor.u32 @!p1 $0x1C04, s3;
	s4 =	simm.s32 @!p1 $0x1C03;
	s2 =	sor.u32 @!p1 $0x80004000, s2  }
0x1c7: {  	[spmem:s7], [sflag:s3] =	dma.general @!p1 [spmem:s5], [sflag:s4], length:$0x10, [dreg:$0x0], stride_count:$0x0, ici_dest:s2, dma_misc:DstOpCode:WRITE  }
0x1c8: {  	p2 =	slt.s32 s0, $0x2;
	s5 =	simm.s32 @!p1 $0x100;
	s7 =	simm.s32 @!p1 $0x102  }
0x1c9: {  	[spmem:s7], [sflag:s3] =	dma.general @!p1 [spmem:s5], [sflag:s4], length:$0x2, [dreg:$0x0], stride_count:$0x0, ici_dest:s2, dma_misc:DstOpCode:WRITE  }
.Ltmp33:
0x1ca: {  	s2 =	simm.s32 @!p1 $0x3;
	(pc) =	sbr.rel @p2 .LBB2_44-.Ltmp33, $4  }
0x1cb: {  	s3 =	sshll.u32 @!p1 s9, $0xE;
	_ =	swait.ge @!p1 [sflag:s2], $0x12  }
0x1cc: {  	s4 =	sshll.u32 @!p1 s8, $0x11;
	s3 =	sadd.s32 @!p1 $0x11C3C, s3;
	[sflag:s2] =	ssyncset.done @!p1 $0x0  }
0x1cd: {  	[sflag:s2] =	ssyncadd.s32 @!p1 $0xFFFFFFEE;
	s2 =	sor.u32 @!p1 s4, s3  }
0x1ce: {  	s0 =	simm.s32 $0x0;
	[sflag:s2] =	ssyncadd.remote.s32 @!p1 $0xFFFFFFFF  }
0x1cf: {  	s0 =	simm.s32 $0xA119  }
0x1d0: {  	v0 =	vld.msk [tilespmem:s0+$0x0], $0x1;
	_ =	sdelay $0x4  }
0x1d1: {  	(v2sf) =	vpush v0, $0x0;
	_ =	sdelay $0xd  }
0x1d2: {  	s3 =	sadd.s32 $0xFFFFFFFE, s6  }
0x1d3: {  	s4 =	sadd.s32 $0xFFFFFFFF, s3;
	s2 =	spop (v2sf)  }
0x1d4: {  	p2 =	sne.s32 s4, $0x0;
	p1 =	sgt.u32 s2, $0x1869F8  }
.Ltmp34:
0x1d5: {  	s5 =	sand.u32 @!p1 $0x1FFFF8, s2;
	(pc) =	sbr.rel @!p2 .LBB2_43-.Ltmp34, $4  }
0x1d6: {  	s0 =	simm.s32 $0xA178;
	s2 =	sand.u32 @!p1 $0x7, s2;
	s3 =	sadd.s32 @!p1 s1, s5  }
0x1d7: {  	[hbm4b:s3+s2] =	stream.linear.scatter @!p1 [tilespmem:s0], [sflag:$0x5], $0x40, $0x38;
	[tilespmem:$0x1EF88] =	vst v63  }
0x1d8: {  	s2 =	simm.s32 $0x0  }
0x1d9: {  	s6 =	simm.s32 $0xA11A;
	s5 =	simm.s32 $0x0;
	s2 =	simm.s32 @!p1 $0x100  }
.LBB2_42:
0x1da: {  	v0 =	vld.msk [tilespmem:s6+$0x0], $0x1;
	s4 =	sadd.s32 $0xFFFFFFFF, s4;
	s5 =	sadd.s32 s5, s2  }
0x1db: {  	p1 =	sne.s32 s4, $0x0;
	_ =	sdelay $0x3  }
0x1dc: {  	(v2sf) =	vpush v0, $0x0;
	_ =	sdelay $0xe  }
.Ltmp35:
0x1dd: {  	s3 =	spop (v2sf);
	(pc) =	sbr.rel @p1 .LBB2_42-.Ltmp35, $4  }
0x1de: {  	s2 =	simm.s32 $0x0;
	p2 =	sgt.u32 s3, $0x1869F8  }
0x1df: {  	s0 =	sadd.s32 $0x40, s0;
	s2 =	simm.s32 @!p2 $0x100;
	s7 =	sand.u32 @!p2 $0x1FFFF8, s3  }
0x1e0: {  	s6 =	sadd.s32 $0x1, s6;
	s3 =	sand.u32 @!p2 $0x7, s3;
	s7 =	sadd.s32 @!p2 s1, s7  }
0x1e1: {  	[hbm4b:s7+s3] =	stream.linear.scatter @!p2 [tilespmem:s0], [sflag:$0x5], $0x40, $0x38;
	[tilespmem:$0x1EF88] =	vst v63  }
.LBB2_43:
0x1e2: {  	s0 =	sadd.s32 s5, s2  }
0x1e3: {  	s0 =	sshrl.u32 s0, $0x2  }
.LBB2_44:
0x1e4: {  	s2 =	simm.s32 $0x5  }
0x1e5: {  	_ =	swait.ge [sflag:s2], s0  }
0x1e6: {  	s31 =	ssub.s32 $0x0, s0;
	[sflag:s2] =	ssyncset.done $0x0  }
0x1e7: {  	[sflag:s2] =	ssyncadd.s32 s31  }
0x1e8: {  	[sflag:s2] =	ssyncpa.u1 $0x1  }
.LBB2_45:
0x1e9: {  	s0 =	sor.u32 s14, s15  }
0x1ea: {  	p1 =	sne.s32 s0, $0x0  }
.Ltmp36:
0x1eb: {  	_ = 	snop;
	(pc) =	sbr.rel @p1 .LBB2_60-.Ltmp36, $3  }
0x1ec: {  	_ =	sdelay $0x1  }
0x1ed: {  	[bflag:$0x0] =	sbarrier.arrive $0xFFFF  }
0x1ee: {  	_ =	sfence  }
0x1ef: {  	s0 =	simm.s32 $0x7  }
0x1f0: {  	s2 =	simm.s32 $0x800;
	s3 =	simm.s32 $0xA118;
	[sflag:s0] =	ssyncpa.u1 $0x0  }
0x1f1: {  	[tilespmem:s3], [sflag:$0x7] =	stream.linear.gather [spmem:s2], $0x20, $0x38;
	[tilespmem:$0x1EF88] =	vst v63  }
0x1f2: {  	s30 =	simm.s32 $0xA138;
	s2 =	simm.s32 $0x0  }
0x1f3: {  	[tilespmem:s30], [sflag:$0x7] =	stream.linear.gather [spmem:s2], $0x800, $0x38;
	[tilespmem:$0x1EF88] =	vst v63  }
.Ltmp37:
0x1f4: {  	_ = 	snop;
	(pc) =	sbr.rel .LBB2_47-.Ltmp37, $4  }
0x1f5: {  	_ =	swait.ge [sflag:s0], $0x820  }
0x1f6: {  	[sflag:s0] =	ssyncset.done $0x0  }
0x1f7: {  	s31 =	simm.s32 $0x8;
	[sflag:s0] =	ssyncadd.s32 $0xFFFFF7E0  }
0x1f8: {  	s3 =	simm.s32 $0x0;
	[sflag:s31] =	ssyncpa.u1 $0x0  }
.LBB2_53:
0x1f9: {  	p1 =	slt.u32 s0, $0x1869F9  }
0x1fa: {  	s4 =	sand.u32 @p1 $0x1FFFF8, s0  }
0x1fb: {  	s0 =	sand.u32 @p1 $0x7, s0;
	s5 =	simm.s32 @p1 $0xA0C8;
	s4 =	sadd.s32 @p1 s1, s4  }
0x1fc: {  	[tilespmem:s5], [sflag:$0x8] =	stream.linear.gather @p1 [hbm4b:s4+s0], $0x40, $0x38;
	[tilespmem:$0x1EF88] =	vst v63  }
0x1fd: {  	s0 =	simm.s32 @p1 $0x8  }
0x1fe: {  	_ =	swait.ge @p1 [sflag:s0], $0x40  }
0x1ff: {  	[sflag:s0] =	ssyncset.done @p1 $0x0  }
0x200: {  	[sflag:s0] =	ssyncadd.s32 @p1 $0xFFFFFFC0  }
0x201: {  	v1 =	vld @p1 [tilespmem:$0xA0C8];
	_ =	sdelay $0x2  }
0x202: {  	s0 =	sshll.u32 @p1 s3, $0x8  }
0x203: {  	s4 =	sshrl.u32 @p1 s0, $0x2  }
0x204: {  	[tilespmem:s4+$0xA138] =	vst.add.f32.msk @p1 $0xffff, v1  }
0x205: {  	v1 =	vld @p1 [tilespmem:$0xA0D8];
	_ =	sdelay $0x4  }
0x206: {  	[tilespmem:s4+$0xA148] =	vst.add.f32.msk @p1 $0xffff, v1  }
0x207: {  	v1 =	vld @p1 [tilespmem:$0xA0E8];
	_ =	sdelay $0x4  }
0x208: {  	[tilespmem:s4+$0xA158] =	vst.add.f32.msk @p1 $0xffff, v1  }
0x209: {  	v1 =	vld @p1 [tilespmem:$0xA0F8];
	_ =	sdelay $0x3  }
0x20a: {  	s5 =	sshll.u32 @!p1 s3, $0x8  }
0x20b: {  	s5 =	smov.u32 @p1 s0;
	[tilespmem:s4+$0xA168] =	vst.add.f32.msk @p1 $0xffff, v1  }
0x20c: {  	s0 =	sshrl.u32 s5, $0x2;
	[tilespmem:s2+$0xA118] =	vst.msk $0x1, v0  }
0x20d: {  	v0 =	vld [tilespmem:s0+$0xA138];
	_ =	sdelay $0x2  }
0x20e: {  	s31 =	sshll.u32 s2, $0x8  }
0x20f: {  	s4 =	sshra.s32 s31, $0x2  }
0x210: {  	[tilespmem:s4+$0xA138] =	vst v0  }
0x211: {  	v0 =	vld [tilespmem:s0+$0xA148];
	_ =	sdelay $0x4  }
0x212: {  	[tilespmem:s4+$0xA148] =	vst v0  }
0x213: {  	v0 =	vld [tilespmem:s0+$0xA158];
	_ =	sdelay $0x4  }
0x214: {  	[tilespmem:s4+$0xA158] =	vst v0  }
0x215: {  	v0 =	vld [tilespmem:s0+$0xA168];
	_ =	sdelay $0x4  }
0x216: {  	s2 =	sadd.s32 $0x1, s2;
	[tilespmem:s4+$0xA168] =	vst v0  }
.LBB2_54:
0x217: {  	s3 =	sadd.s32 $0x1, s3  }
0x218: {  	p1 =	sne.s32 s3, $0x20  }
.Ltmp38:
0x219: {  	_ = 	snop;
	(pc) =	sbr.rel @!p1 .LBB2_55-.Ltmp38, $1  }
0x21a: {  	_ =	sdelay $0x3  }
.LBB2_47:
0x21b: {  	v0 =	vld.msk [tilespmem:s3+$0xA118], $0x1;
	_ =	sdelay $0x4  }
0x21c: {  	(v2sf) =	vpush v0, $0x0;
	_ =	sdelay $0xe  }
0x21d: {  	s0 =	spop (v2sf)  }
0x21e: {  	p1 =	seq.s32 s0, $0xFFFFFFFF  }
.Ltmp39:
0x21f: {  	_ = 	snop;
	(pc) =	sbr.rel @p1 .LBB2_54-.Ltmp39, $1  }
0x220: {  	_ =	sdelay $0x3  }
0x221: {  	p1 =	slt.s32 s2, $0x1  }
.Ltmp40:
0x222: {  	_ = 	snop;
	(pc) =	sbr.rel @p1 .LBB2_53-.Ltmp40, $1  }
0x223: {  	_ =	sdelay $0x3  }
0x224: {  	s4 =	simm.s32 $0xA118;
	p1 =	por $0x0, $0x0  }
0x225: {  	v1 =	vld.msk @!p1 [tilespmem:s4+$0x0], $0x1;
	_ =	sdelay $0x4  }
0x226: {  	(v2sf) =	vpush @!p1 v1, $0x0;
	_ =	sdelay $0xd  }
0x227: {  	p3 =	sne.s32 s2, $0x1  }
.Ltmp41:
0x228: {  	s5 =	spop @!p1 (v2sf);
	(pc) =	sbr.rel @!p3 .LBB2_51-.Ltmp41, $4  }
0x229: {  	p2 =	seq.s32 @!p1 s0, s5  }
0x22a: {  	s5 =	simm.s32 $0x0;
	p2 =	por !p2, p1  }
0x22b: {  	s7 =	simm.s32 $0xFFFFFFFF;
	s5 =	simm.s32 @p2 $0xFFFFFFFF  }
0x22c: {  	s6 =	simm.s32 $0x1;
	s5 =	smov.u32 @p1 s7  }
.LBB2_50:
0x22d: {  	s7 =	smov.u32 s5;
	p1 =	sne.s32 s5, $0xFFFFFFFF  }
0x22e: {  	s4 =	sadd.s32 $0x1, s4;
	s5 =	smov.u32 s6;
	s6 =	sadd.s32 $0x1, s6  }
0x22f: {  	p2 =	sne.s32 s2, s6;
	v1 =	vld.msk @!p1 [tilespmem:s4+$0x0], $0x1;
	_ =	sdelay $0x4  }
0x230: {  	(v2sf) =	vpush @!p1 v1, $0x0;
	_ =	sdelay $0xe  }
.Ltmp42:
0x231: {  	s8 =	spop @!p1 (v2sf);
	(pc) =	sbr.rel @p2 .LBB2_50-.Ltmp42, $4  }
0x232: {  	p3 =	seq.s32 @!p1 s0, s8  }
0x233: {  	p3 =	por !p3, p1  }
0x234: {  	s5 =	simm.s32 @p3 $0xFFFFFFFF  }
0x235: {  	s5 =	smov.u32 @p1 s7  }
.LBB2_51:
0x236: {  	p1 =	seq.s32 s5, $0xFFFFFFFF  }
.Ltmp43:
0x237: {  	_ = 	snop;
	(pc) =	sbr.rel @p1 .LBB2_53-.Ltmp43, $1  }
0x238: {  	_ =	sdelay $0x3  }
0x239: {  	s0 =	sshll.u32 s3, $0x6  }
0x23a: {  	s0 =	sand.u32 $0x3FFFFFC0, s0  }
0x23b: {  	v0 =	vld [tilespmem:s0+$0xA138];
	_ =	sdelay $0x2  }
0x23c: {  	s4 =	sshll.u32 s5, $0x8  }
0x23d: {  	s4 =	sshra.s32 s4, $0x2  }
0x23e: {  	[tilespmem:s4+$0xA138] =	vst.add.f32.msk $0xffff, v0  }
0x23f: {  	v0 =	vld [tilespmem:s0+$0xA148];
	_ =	sdelay $0x4  }
0x240: {  	[tilespmem:s4+$0xA148] =	vst.add.f32.msk $0xffff, v0  }
0x241: {  	v0 =	vld [tilespmem:s0+$0xA158];
	_ =	sdelay $0x4  }
0x242: {  	[tilespmem:s4+$0xA158] =	vst.add.f32.msk $0xffff, v0  }
0x243: {  	v0 =	vld [tilespmem:s0+$0xA168]  }
.Ltmp44:
0x244: {  	_ = 	snop;
	(pc) =	sbr.rel .LBB2_54-.Ltmp44, $2  }
0x245: {  	_ =	sdelay $0x2  }
0x246: {  	[tilespmem:s4+$0xA168] =	vst.add.f32.msk $0xffff, v0  }
.LBB2_55:
0x247: {  	p1 =	slt.s32 s2, $0x1  }
.Ltmp45:
0x248: {  	_ = 	snop;
	(pc) =	sbr.rel @p1 .LBB2_59-.Ltmp45, $3  }
0x249: {  	_ =	sdelay $0x1  }
0x24a: {  	s0 =	simm.s32 $0x8  }
0x24b: {  	[sflag:s0] =	ssyncpa.u1 $0x1;
	s0 =	simm.s32 $0x0  }
0x24c: {  	s3 =	simm.s32 $0xA118  }
0x24d: {  	v0 =	vld.msk [tilespmem:s3+$0x0], $0x1;
	_ =	sdelay $0x4  }
0x24e: {  	(v2sf) =	vpush v0, $0x0;
	_ =	sdelay $0xe  }
0x24f: {  	s2 =	sadd.s32 $0xFFFFFFFF, s2;
	s4 =	spop (v2sf)  }
0x250: {  	p2 =	sne.s32 s2, $0x0;
	p1 =	sgt.u32 s4, $0x1869F8  }
.Ltmp46:
0x251: {  	s5 =	sand.u32 @!p1 $0x1FFFF8, s4;
	(pc) =	sbr.rel @!p2 .LBB2_58-.Ltmp46, $4  }
0x252: {  	s3 =	simm.s32 $0xA138;
	s4 =	sand.u32 @!p1 $0x7, s4;
	s5 =	sadd.s32 @!p1 s1, s5  }
0x253: {  	[hbm4b:s5+s4] =	stream.linear.scatter @!p1 [tilespmem:s3], [sflag:$0x7], $0x40, $0x38;
	[tilespmem:$0x1EF88] =	vst v63  }
0x254: {  	s5 =	simm.s32 $0x0  }
0x255: {  	s4 =	simm.s32 $0xA119;
	s5 =	simm.s32 @!p1 $0x100  }
.LBB2_57:
0x256: {  	v0 =	vld.msk [tilespmem:s4+$0x0], $0x1;
	s2 =	sadd.s32 $0xFFFFFFFF, s2;
	s0 =	sadd.s32 s0, s5  }
0x257: {  	p1 =	sne.s32 s2, $0x0;
	_ =	sdelay $0x3  }
0x258: {  	(v2sf) =	vpush v0, $0x0;
	_ =	sdelay $0xe  }
.Ltmp47:
0x259: {  	s6 =	spop (v2sf);
	(pc) =	sbr.rel @p1 .LBB2_57-.Ltmp47, $4  }
0x25a: {  	s5 =	simm.s32 $0x0;
	p2 =	sgt.u32 s6, $0x1869F8  }
0x25b: {  	s3 =	sadd.s32 $0x40, s3;
	s5 =	simm.s32 @!p2 $0x100;
	s7 =	sand.u32 @!p2 $0x1FFFF8, s6  }
0x25c: {  	s4 =	sadd.s32 $0x1, s4;
	s6 =	sand.u32 @!p2 $0x7, s6;
	s7 =	sadd.s32 @!p2 s1, s7  }
0x25d: {  	[hbm4b:s7+s6] =	stream.linear.scatter @!p2 [tilespmem:s3], [sflag:$0x7], $0x40, $0x38;
	[tilespmem:$0x1EF88] =	vst v63  }
.LBB2_58:
0x25e: {  	s0 =	sadd.s32 s0, s5  }
0x25f: {  	s0 =	sshrl.u32 s0, $0x2  }
.LBB2_59:
0x260: {  	s1 =	simm.s32 $0x7  }
0x261: {  	_ =	swait.ge [sflag:s1], s0  }
0x262: {  	s31 =	ssub.s32 $0x0, s0;
	[sflag:s1] =	ssyncset.done $0x0  }
0x263: {  	[sflag:s1] =	ssyncadd.s32 s31  }
0x264: {  	[sflag:s1] =	ssyncpa.u1 $0x1  }
.LBB2_60:
0x265: {  	_ =	sfence;
	s0 =	simm.s32 $0x1  }
0x266: {  	[sflag:s0] =	ssyncpa.u1 $0x1  }
0x267: {  	_ =	strace $0x9000004D  }
0x268: {  	[bflag:$0x2] =	sbarrier.arrive $0xFFFF  }
0x269: {  	s0 =	rddreg [dreg:$0x3]  }
0x26a: {  	s0 =	sadd.s32 @!p0 $0x100000, s0  }
0x26b: {  	[sflag:s0] =	ssyncadd.tile.s32 @!p0 $0x1;
	_ =	shalt  }
.Lfunc_end2:
_tile_overlayer_lowered:
.L_overlay_start_2:
0x26c: {  	(tag) =	ssettag $0x2  }
0x26d: {  	s0 =	rddreg [dreg:$0x0];
	s2 =	stileid.u32  }
0x26e: {  	s1 =	rddreg [dreg:$0x1];
	p0 =	sne.s32 s2, $0x0  }
0x26f: {  	s3 =	rddreg [dreg:$0x2];
	[bflag:$0x3] =	sbarrier.arrive $0xFFFF;
	s2 =	simm.s32 @!p0 $0x1C01  }
0x270: {  	[timem:s3], [sflag:s2] =	dma.local @!p0 [hbm:s0], s1  }
0x271: {  	s0 =	simm.s32 @!p0 $0x1  }
0x272: {  	_ =	swait.ge @!p0 [sflag:s0], s1  }
0x273: {  	s1 =	ssub.s32 @!p0 $0x0, s1;
	[sflag:s0] =	ssyncset.done @!p0 $0x0  }
0x274: {  	[sflag:s0] =	ssyncadd.s32 @!p0 s1  }
0x275: {  	[bflag:$0x3] =	sbarrier.arrive $0xFFFF  }
0x276: {  	_ =	shalt  }

// kernel: scatter_offload_async_start
scs
__scs_entry_jumppad:
0x0: {  	(pc) =	sbr.rel $0x88, $3  }
0x1: {  	(tag) =	ssettag $0x0;
	lr =	simm.s32 $0x1  }
0x2: {  	[smem:$0x3F99] =	sst lr;
	_ =	strace $0xD0000000  }
0x3: {  	_ = 	snop  }
0x4: {  	_ = 	snop  }
0x5: {  	_ = 	snop  }
0x6: {  	_ = 	snop  }
0x7: {  	_ = 	snop  }
__scs_overlays_trampoline_lowered:
0x8: {  	[smem:$0x3FA8] =	sst s0  }
0x9: {  	[smem:$0x3FA9] =	sst s1  }
0xa: {  	[smem:$0x3FAA] =	sst s2  }
0xb: {  	[smem:$0x3FAB] =	sst s3  }
0xc: {  	[smem:$0x3FAC] =	sst s4  }
0xd: {  	[smem:$0x3FAD] =	sst s5  }
0xe: {  	[smem:$0x3FAE] =	sst s6  }
0xf: {  	[smem:$0x3FAF] =	sst s7  }
0x10: {  	[smem:$0x3FB0] =	sst s8  }
0x11: {  	[smem:$0x3FB1] =	sst s9;
	s0 =	simm.s32 @!p0 $0x0  }
0x12: {  	s1 =	sld [smem:$0x3F97];
	s0 =	simm.s32 @p0 $0x1  }
0x13: {  	[smem:$0x3FB2] =	sst s0;
	s0 =	simm.s32 @!p1 $0x0  }
0x14: {  	s2 =	sld [smem:$0x3F96];
	s0 =	simm.s32 @p1 $0x1  }
0x15: {  	[smem:$0x3FB3] =	sst s0;
	s0 =	simm.s32 @!p2 $0x0  }
0x16: {  	s3 =	sld [smem:$0x3FDB];
	s0 =	simm.s32 @p2 $0x1  }
0x17: {  	s4 =	simm.s32 $0x1BF5;
	[smem:$0x3FB5] =	sst s0  }
0x18: {  	s0 =	sld [smem:$0x3F98];
	_ =	swait.ge [sflag:s4], $0x0  }
0x19: {  	s7 =	sld [smem:$0x3F99]  }
0x1a: {  	s8 =	sadd.s32 $0xFFFFE003, lr  }
0x1b: {  	s9 =	sadd.s32 $0xFFFFFEF7, lr;
	s5 =	simm.s32 $0xFFFFFFFF;
	p2 =	slt.u32 s8, $0xFFFFF086  }
0x1c: {  	p1 =	slt.u32 s9, $0xF7A;
	s5 =	simm.s32 @!p2 $0x0  }
0x1d: {  	s5 =	simm.s32 @p1 $0x1;
	p0 =	seq.s32 s7, s2  }
0x1e: {  	s7 =	smul.u32 @!p0 $0xF7A, s2;
	p2 =	seq.s32 @!p0 s5, $0x0  }
0x1f: {  	s9 =	smul.u32 $0xF7A, s1;
	s8 =	simm.s32 @!p0 $0x1BF5;
	p2 =	por !p2, p0  }
0x20: {  	[sflag:s8] =	ssyncset.s32 @!p0 $0xFFFFF086;
	s6 =	sadd.s32 @!p0 s3, s7;
	s7 =	simm.s32 @!p0 $0x108  }
0x21: {  	s3 =	sadd.s32 s3, s9;
	s6 =	sadd.s32 @!p0 $0x88, s6;
	s7 =	simm.s32 @p2 $0x1082  }
0x22: {  	[simem:s7], [sflag:s8] =	dma.local @!p0 [hbm:s6], $0xF7A  }
0x23: {  	s9 =	sor.u32 $0xD0000000, s2;
	s6 =	simm.s32 $0x108;
	_ =	swait.ge @!p0 [sflag:s8], $0x0  }
0x24: {  	s3 =	sadd.s32 $0x88, s3;
	s6 =	simm.s32 @!p1 $0x1082;
	[sflag:s4] =	ssyncset.s32 $0xFFFFF086  }
0x25: {  	[simem:s6], [sflag:s4] =	dma.local [hbm:s3], $0xF7A  }
0x26: {  	[smem:$0x3F99] =	sst s1;
	(tag) =	ssettag s2;
	_ =	strace s9  }
0x27: {  	s1 =	sld [smem:$0x3FA9]  }
0x28: {  	s2 =	sld [smem:$0x3FAA]  }
0x29: {  	s4 =	sld [smem:$0x3FAC]  }
0x2a: {  	p0 =	seq.s32 s5, $0x0;
	s5 =	sld [smem:$0x3FAD]  }
0x2b: {  	s6 =	sld [smem:$0x3FAE]  }
0x2c: {  	s7 =	sld [smem:$0x3FAF]  }
0x2d: {  	s3 =	simm.s32 $0x108;
	s8 =	sld [smem:$0x3FB0]  }
0x2e: {  	s3 =	simm.s32 @!p0 $0x1082;
	s9 =	sld [smem:$0x3FB1]  }
0x2f: {  	lr =	sadd.s32 s0, s3;
	s0 =	sld [smem:$0x3FA8]  }
0x30: {  	s3 =	sld [smem:$0x3FAB]  }
0x31: {  	[smem:$0x3FB4] =	sst s10  }
0x32: {  	s10 =	sld [smem:$0x3FB2];
	_ =	sdelay $0x3  }
0x33: {  	p0 =	seq.s32 s10, $0x1;
	s10 =	sld [smem:$0x3FB4];
	_ =	sdelay $0x3  }
0x34: {  	[smem:$0x3FB4] =	sst s10  }
0x35: {  	s10 =	sld [smem:$0x3FB3];
	_ =	sdelay $0x3  }
0x36: {  	p1 =	seq.s32 s10, $0x1;
	s10 =	sld [smem:$0x3FB4];
	_ =	sdelay $0x3  }
0x37: {  	[smem:$0x3FB4] =	sst s10  }
0x38: {  	s10 =	sld [smem:$0x3FB5]  }
0x39: {  	_ = 	snop;
	(pc) =	sbr.ind lr, $3  }
0x3a: {  	_ = 	snop  }
0x3b: {  	_ = 	snop  }
0x3c: {  	p2 =	seq.s32 s10, $0x1;
	s10 =	sld [smem:$0x3FB4]  }
0x3d: {  	_ =	shalt  }
0x3e: {  	_ =	shalt  }
0x3f: {  	_ =	shalt  }
0x40: {  	_ =	shalt  }
0x41: {  	_ =	shalt  }
0x42: {  	_ =	shalt  }
0x43: {  	_ =	shalt  }
0x44: {  	_ =	shalt  }
0x45: {  	_ =	shalt  }
0x46: {  	_ =	shalt  }
0x47: {  	_ =	shalt  }
0x48: {  	_ =	shalt  }
0x49: {  	_ =	shalt  }
0x4a: {  	_ =	shalt  }
0x4b: {  	_ =	shalt  }
0x4c: {  	_ =	shalt  }
0x4d: {  	_ =	shalt  }
0x4e: {  	_ =	shalt  }
0x4f: {  	_ =	shalt  }
0x50: {  	_ =	shalt  }
0x51: {  	_ =	shalt  }
0x52: {  	_ =	shalt  }
0x53: {  	_ =	shalt  }
0x54: {  	_ =	shalt  }
0x55: {  	_ =	shalt  }
0x56: {  	_ =	shalt  }
0x57: {  	_ =	shalt  }
0x58: {  	_ =	shalt  }
0x59: {  	_ =	shalt  }
0x5a: {  	_ =	shalt  }
0x5b: {  	_ =	shalt  }
0x5c: {  	_ =	shalt  }
0x5d: {  	_ =	shalt  }
0x5e: {  	_ =	shalt  }
0x5f: {  	_ =	shalt  }
0x60: {  	_ =	shalt  }
0x61: {  	_ =	shalt  }
0x62: {  	_ =	shalt  }
0x63: {  	_ =	shalt  }
0x64: {  	_ =	shalt  }
0x65: {  	_ =	shalt  }
0x66: {  	_ =	shalt  }
0x67: {  	_ =	shalt  }
0x68: {  	_ =	shalt  }
0x69: {  	_ =	shalt  }
0x6a: {  	_ =	shalt  }
0x6b: {  	_ =	shalt  }
0x6c: {  	_ =	shalt  }
0x6d: {  	_ =	shalt  }
0x6e: {  	_ =	shalt  }
0x6f: {  	_ =	shalt  }
0x70: {  	_ =	shalt  }
0x71: {  	_ =	shalt  }
0x72: {  	_ =	shalt  }
0x73: {  	_ =	shalt  }
0x74: {  	_ =	shalt  }
0x75: {  	_ =	shalt  }
0x76: {  	_ =	shalt  }
0x77: {  	_ =	shalt  }
0x78: {  	_ =	shalt  }
0x79: {  	_ =	shalt  }
0x7a: {  	_ =	shalt  }
0x7b: {  	_ =	shalt  }
0x7c: {  	_ =	shalt  }
0x7d: {  	_ =	shalt  }
0x7e: {  	_ =	shalt  }
0x7f: {  	_ =	shalt  }
0x80: {  	_ =	shalt  }
0x81: {  	_ =	shalt  }
0x82: {  	_ =	shalt  }
0x83: {  	_ =	shalt  }
0x84: {  	_ =	shalt  }
0x85: {  	_ =	shalt  }
0x86: {  	_ =	shalt  }
0x87: {  	_ =	shalt  }
.Lfunc_end0:
.L_simem_size_0:
called_computation_lowered:
.L_overlay_start_0:
0x88: {  	s0 =	sld [smem:$0x3FD9]  }
0x89: {  	s1 =	sld [smem:$0x3FFE];
	_ =	sdelay $0x3  }
0x8a: {  	s0 =	sadd.s32 s1, s0  }
0x8b: {  	[smem:$0x3FC0] =	sst s0  }
0x8c: {  	_ = 	snop  }
0x8d: {  	(tm) =	ssettm $0x1  }
0x8e: {  	s15 =	sld [smem:$0x3FFB];
	_ =	sdelay $0x3  }
0x8f: {  	_ =	strace s15  }
0x90: {  	s0 =	sld [smem:$0x3FFC];
	_ =	sdelay $0x3  }
0x91: {  	_ =	strace s0  }
0x92: {  	s0 =	sld [smem:$0x3FFD];
	_ =	sdelay $0x3  }
0x93: {  	_ =	strace s0  }
0x94: {  	_ =	strace $0x8FFFFFFF  }
0x95: {  	s16 =	sld [smem:$0x3FDB];
	_ =	sdelay $0x1  }
0x96: {  	s17 =	simm.s32 $_scs_section_size  }
0x97: {  	s2 =	simm.s32 $_size__tile_overlayer_lowered;
	s3 =	simm.s32 $_tile_overlayer_lowered  }
0x98: {  	s20 =	simm.s32 $0x1BFF;
	s19 =	sshll.u32 s3, $0x1;
	s0 =	sadd.s32 s17, s16  }
0x99: {  	s4 =	simm.s32 $0x0;
	s18 =	sshll.u32 s2, $0x1;
	s2 =	sadd.s32 s19, s0  }
0x9a: {  	[timem:s4], [sflag:s20] =	dma.local [hbm:s2], s18  }
0x9b: {  	_ =	swait.ge [sflag:s20], s18  }
0x9c: {  	s1 =	ssub.s32 $0x0, s18;
	[sflag:s20] =	ssyncset.done $0x0  }
0x9d: {  	[sflag:s20] =	ssyncadd.s32 s1;
	_ =	sdelay $0x1  }
0x9e: {  	s21 =	simm.s32 $0x1B8B  }
0x9f: {  	_ =	swait.ge [sflag:s21], $0x1  }
0xa0: {  	[sflag:s21] =	ssyncset.done $0x0  }
0xa1: {  	s23 =	simm.s32 $0x1B8E;
	s22 =	sld [smem:$0x3FFE];
	[sflag:s21] =	ssyncadd.s32 $0xFFFFFFFF  }
0xa2: {  	s24 =	simm.s32 $execute0_lowered;
	[smem:$0x3FD2] =	sst s23  }
0xa3: {  	s2 =	sshll.u32 s24, $0x1;
	_ =	strace $0x80000046;
	[dreg:$0x1] =	wrdreg $0xFFFFFFFF  }
0xa4: {  	s25 =	simm.s32 $_size_execute0_lowered;
	s0 =	sadd.s32 s0, s2;
	[dreg:$0x0] =	wrdreg $0x0  }
0xa5: {  	s2 =	sshll.u32 s25, $0x1;
	[dreg:$0x2] =	wrdreg s0  }
0xa6: {  	[dreg:$0x3] =	wrdreg s2  }
0xa7: {  	[dreg:$0x4] =	wrdreg $0xC0  }
0xa8: {  	_ =	task [dreg:s4], $0x5FFFF  }
0xa9: {  	[dreg:$0x1] =	wrdreg $0xFFFFFFFF  }
0xaa: {  	[dreg:$0x0] =	wrdreg $0x60  }
0xab: {  	[dreg:$0x2] =	wrdreg s22  }
0xac: {  	[dreg:$0x3] =	wrdreg $0x9  }
0xad: {  	_ =	task.clear_ibuf [dreg:s4], $0x4FFFF;
	_ =	strace $0x90000046  }
0xae: {  	s26 =	simm.s32 $0x9;
	_ =	strace $0x80000048  }
0xaf: {  	_ =	swait.ge [sflag:s26], $0x1  }
0xb0: {  	[sflag:s26] =	ssyncadd.s32 $0xFFFFFFFF  }
0xb1: {  	_ =	strace $0x90000048  }
0xb2: {  	_ =	sfence  }
0xb3: {  	s28 =	sld [smem:$0x0];
	_ =	sdelay $0x1  }
0xb4: {  	s29 =	srdreg.scid  }
0xb5: {  	s30 =	sshll.u32 s29, $0xD;
	s31 =	sshrl.u32 s29, $0x2  }
0xb6: {  	s1 =	sand.u32 $0x1, s29;
	s2 =	sand.u32 $0x4000, s30;
	s0 =	sadd.s32 s31, s28  }
0xb7: {  	s1 =	sor.u32 s2, s1;
	s0 =	sshll.u32 s0, $0x11  }
0xb8: {  	s0 =	sor.u32 s0, s1  }
0xb9: {  	s0 =	sadd.s32 $0x8F2B, s0  }
0xba: {  	[sflag:s0] =	ssyncadd.remote.s32 $0x1  }
0xbb: {  	_ =	sfence.sel $0xFFFF  }
0xbc: {  	[dreg:$0x0] =	wrdreg $0xFFFFFFFF;
	(pc) =	sbr.abs _section_cstart, $3  }
0xbd: {  	[dreg:$0x1] =	wrdreg $0xFFFFFFFF  }
0xbe: {  	_ =	task.clear_ibuf [dreg:s4], $0x2FFFF;
	_ =	strace $0x9FFFFFFF  }
0xbf: {  	(tm) =	ssettm $0x7FFFFFFF  }
tec
execute0_lowered:
.L_overlay_start_1:
0x0: {  	(tag) =	ssettag $0x1  }
0x1: {  	s0 =	rddreg [dreg:$0x0]  }
0x2: {  	s6 =	stileid.u32;
	_ =	strace $0x80000047;
	s2 =	simm.s32 $0x1  }
0x3: {  	v1 =	vimm.s32 $0xFFFFFFFF;
	s1 =	smul.u32 $0x4E, s6;
	[sflag:s2] =	ssyncpa.u1 $0x0  }
0x4: {  	s3 =	smin.u32 s6, $0x2;
	[tilespmem:$0x10] =	vst v1  }
0x5: {  	v0 =	vimm.f32 $0.0e+00;
	[tilespmem:$0x20] =	vst v1;
	s1 =	sadd.s32 s3, s1  }
0x6: {  	p0 =	slt.u32 s6, $0x2;
	[tilespmem:$0x30] =	vst v0;
	s3 =	smul.u32 $0x1450, s1;
	s1 =	simm.s32 $0x644B0  }
0x7: {  	[tilespmem:$0x40] =	vst v0;
	s1 =	simm.s32 @!p0 $0x63060  }
0x8: {  	[tilespmem:$0x50] =	vst v0;
	s1 =	sadd.s32 s1, s3  }
0x9: {  	[tilespmem:$0x60] =	vst v1;
	s4 =	smin.u32 s1, $0x632EA0  }
0xa: {  	s7 =	simm.s32 $0x2;
	[tilespmem:$0x70] =	vst v1;
	s9 =	ssub.s32 s4, s3  }
0xb: {  	s8 =	simm.s32 $0x8;
	s31 =	simm.s32 $0x9;
	[tilespmem:$0x80] =	vst v1;
	p0 =	sgt.s32 s9, $0x0  }
0xc: {  	s16 =	simm.s32 $0x0;
	s17 =	simm.s32 $0xF0;
	v1 =	vimm.s32 $0x0;
	[tilespmem:$0xB0] =	vst v0;
	s9 =	simm.s32 @!p0 $0x0  }
0xd: {  	s18 =	simm.s32 $0xFFFFFFFF;
	s19 =	simm.s32 $0xFFFFD860;
	[tilespmem:$0x90] =	vst v1;
	s5 =	smulhi.u32 $0x64D319FF, s9  }
0xe: {  	s20 =	simm.s32 $0xFFFFFFFE;
	[tilespmem:$0xA0] =	vst v1;
	[sflag:s7] =	ssyncpa.u1 $0x0;
	s7 =	simm.s32 $0x7  }
0xf: {  	s21 =	simm.s32 $0xF;
	[sflag:s7] =	ssyncpa.u1 $0x0;
	s10 =	sshrl.u32 s5, $0xB  }
0x10: {  	s25 =	simm.s32 $0x0;
	[sflag:s8] =	ssyncpa.u1 $0x0;
	s11 =	smul.u32 $0x1450, s10  }
0x11: {  	s24 =	simm.s32 $0x0;
	s14 =	sshllo.u32 s6, $0x1;
	[sflag:s31] =	ssyncpa.u1 $0x0  }
.Ltmp0:
0x12: {  	s1 =	sadd.s32 $0x18CC00, s0;
	p0 =	sne.s32 s9, s11;
	(pc) =	sbr.rel .LBB2_1-.Ltmp0, $4  }
0x13: {  	s5 =	sadd.s32 $0x310800, s0;
	s0 =	sadd.s32 $0x24A200, s0;
	s2 =	simm.s32 @!p0 $0x0  }
0x14: {  	s23 =	smov.u32 s3;
	[dreg:$0x2] =	wrdreg s0;
	s9 =	sadd.s32 s2, s10  }
0x15: {  	vm0 =	vmmov $0xffff;
	v2 =	vlaneseq.u32;
	p0 =	por $0x0, $0x0;
	s10 =	sshll.u32 s6, $0x1;
	s11 =	sadd.s32 $0x1, s9  }
0x16: {  	vm1 =	vmxor vm1, vm1;
	vm2 =	vmmov $0x1;
	vm3 =	vcmask $0x3F3C;
	s12 =	sadd.s32 $0x2, s9;
	s13 =	sor.u32 $0x81, s10;
	s15 =	sor.u32 $0x80, s10  }
.LBB2_9:
0x17: {  	p1 =	slt.u32 s24, $0x3  }
0x18: {  	s0 =	simm.s32 @!p1 $0x2  }
0x19: {  	_ =	swait.ge @!p1 [sflag:s0], $0x1450  }
0x1a: {  	[sflag:s0] =	ssyncset.done @!p1 $0x0  }
0x1b: {  	[sflag:s0] =	ssyncadd.s32 @!p1 $0xFFFFEBB0;
	s0 =	simm.s32 @!p1 $0x9  }
0x1c: {  	_ =	swait.ge @!p1 [sflag:s0], $0x10  }
0x1d: {  	[sflag:s0] =	ssyncset.done @!p1 $0x0  }
0x1e: {  	[sflag:s0] =	ssyncadd.s32 @!p1 $0xFFFFFFF0;
	p1 =	sne.s32 s24, s12  }
.Ltmp1:
0x1f: {  	s2 =	sadd.s32 $0x1450, s23;
	(pc) =	sbr.rel @!p1 .LBB2_10-.Ltmp1, $4  }
0x20: {  	s6 =	smov.u32 s3;
	s31 =	sadd.s32 $0x1, s24;
	s17 =	sadd.s32 $0x1450, s17  }
0x21: {  	s18 =	sadd.s32 $0x1, s18;
	s25 =	smov.u32 s23;
	p2 =	slt.s32 s2, s4  }
0x22: {  	p0 =	por !p0, !p0;
	s19 =	sadd.s32 $0x1450, s19;
	s6 =	smov.u32 @p2 s2  }
0x23: {  	s20 =	sadd.s32 $0x1, s20;
	s23 =	smov.u32 s6;
	s24 =	smov.u32 s31  }
.LBB2_1:
0x24: {  	p1 =	sge.u32 s24, s9  }
0x25: {  	s0 =	smulhi.u32 @!p1 $0xAAAAAAAB, s24;
	_ =	sdelay $0x1  }
0x26: {  	s0 =	sshrl.u32 @!p1 s0, $0x1  }
0x27: {  	s0 =	smul.u32 @!p1 $0x3, s0;
	_ =	sdelay $0x1  }
0x28: {  	s0 =	ssub.s32 @!p1 s24, s0  }
0x29: {  	s0 =	smul.u32 @!p1 $0x5140, s0;
	_ =	sdelay $0x1  }
0x2a: {  	s2 =	sshrl.u32 @!p1 s23, $0x3;
	s0 =	sshrl.u32 @!p1 s0, $0x2  }
0x2b: {  	s22 =	sand.u32 @!p1 $0x7, s23;
	s2 =	sadd.s32 @!p1 s5, s2;
	s0 =	sadd.s32 @!p1 $0x100, s0  }
0x2c: {  	[tilespmem:s0], [sflag:$0x7] =	stream.linear.gather @!p1 [hbm4b:s2+s22], $0x1450, $0x38;
	[tilespmem:$0xB7F0] =	vst v63  }
0x2d: {  	s0 =	sadd.s32 $0xFFFFFFFF, s24  }
0x2e: {  	p1 =	sge.u32 s0, s9  }
.Ltmp2:
0x2f: {  	_ = 	snop;
	(pc) =	sbr.rel @p1 .LBB2_5-.Ltmp2, $1  }
0x30: {  	_ =	sdelay $0x3  }
0x31: {  	s2 =	smulhi.u32 $0xAAAAAAAB, s0;
	_ =	sdelay $0x1  }
0x32: {  	s2 =	sshrl.u32 s2, $0x1  }
0x33: {  	s2 =	smul.u32 $0x3, s2;
	_ =	sdelay $0x1  }
0x34: {  	s2 =	ssub.s32 s0, s2  }
0x35: {  	s2 =	smul.u32 $0x5140, s2  }
0x36: {  	_ =	swait.ge [sflag:s7], $0x1450  }
0x37: {  	[sflag:s7] =	ssyncset.done $0x0;
	s2 =	sshrl.u32 s2, $0x2  }
0x38: {  	[sflag:s7] =	ssyncadd.s32 $0xFFFFEBB0;
	(ifvalue) =	ssetifvalue $0xFFFFFFFF;
	v3 =	vld.msk [tilespmem:s2+$0x100 ss:$0x1], $0xffff;
	_ =	sdelay $0x2  }
0x39: {  	s30 =	smulhi.u32 $0xAAAAAAAB, s18;
	p1 =	sne.s32 s24, $0x1  }
0x3a: {  	v4 =	vimm.s32 @!p1 $0x0  }
0x3b: {  	s2 =	sshrl.u32 s30, $0x1;
	v4 =	vperm.xlane @!p1 v3, v4  }
0x3c: {  	s22 =	sshll.u32 s24, $0x4;
	s2 =	smul.u32 $0xFFFF0C40, s2;
	vm4 =	vlt.u32 v3, $0x18800  }
0x3d: {  	s22 =	sand.u32 $0x10, s22;
	v3 =	vnsel vm4, $0xFFFFFFFE, v3;
	vm4 =	vlt.u32 @!p1 v4, $0x18800  }
0x3e: {  	s2 =	sshra.s32 s2, $0x2;
	[tilespmem:s22+$0x60] =	vst v3;
	v3 =	vnsel @!p1 vm4, $0xFFFFFFFE, v4  }
0x3f: {  	s28 =	sadd.s32 s2, s17;
	[tilespmem:$0x80] =	vst @!p1 v3  }
0x40: {  	v3 =	vld.msk [tilespmem:s28+$0x0 ss:$0x1], $0xffff;
	_ =	sdelay $0x4  }
0x41: {  	(xrf1) =	vunique.msk.u32 $0xffff, v3;
	_ =	sdelay $0xd  }
0x42: {  	v4 =	vimm.s32 $0xFFFFFFFF;
	v5, _, _ =	vpop (xrf1)  }
0x43: {  	vm5 =	vne.s32 v3, v4;
	vm4 =	veq.s32 v5, v2  }
0x44: {  	vm6 =	vlt.u32 v3, $0x18800;
	vm4 =	vmand vm5, vm4  }
0x45: {  	vm4 =	vmand vm6, vm4  }
0x46: {  	v4 =	vnsel vm4, $0xFFFFFFFF, v3  }
0x47: {  	s31 =	sand.u32 $0x1, s0  }
0x48: {  	s0 =	simm.s32 $0x1450;
	p1 =	seq.s32 s31, $0x1  }
0x49: {  	s0 =	simm.s32 @!p1 $0x0  }
0x4a: {  	s26 =	sadd.s32 $0x5230, s0;
	(ifvalue) =	ssetifvalue $0xFFFFFFFF  }
0x4b: {  	v3 =	vperm.xlane v3, v1;
	[tilespmem:s26], [sflag:$0x8] =	stream.indirect_vreg.gather [hbm4b:s1+s16], $0x1, v4, vm0, $0x4038;
	v4 =	vnsel vm6, $0xFFFFFFFE, v4;
	[tilespmem:$0xB7F0] =	vst v63  }
0x4c: {  	s2 =	simm.s32 $0x0;
	s22 =	sadd.s32 $0xFFFFFFF0, s28;
	[tilespmem:s28+$0x0] =	vst v4  }
.LBB2_3:
0x4d: {  	v4 =	vld.msk [tilespmem:s22+$0x0 ss:$0x1], $0xffff;
	s2 =	sadd.s32 $0x10, s2;
	v5 =	vmov v3;
	s28 =	smov.u32 s22  }
0x4e: {  	p1 =	slt.u32 s2, $0x1440;
	_ =	sdelay $0x4  }
0x4f: {  	v3 =	vperm.xlane v4, v1;
	(xrf1) =	vunique.msk.u32 $0xffff, v4;
	_ =	sdelay $0xd  }
0x50: {  	v6, _, _ =	vpop (xrf1)  }
0x51: {  	vm5 =	vne.s32 v4, v5;
	vm4 =	veq.s32 v6, v2  }
0x52: {  	vm6 =	vlt.u32 v4, $0x18800;
	vm4 =	vmand vm5, vm4  }
0x53: {  	vm4 =	vmand vm6, vm4  }
0x54: {  	v4 =	vnsel vm4, $0xFFFFFFFF, v4  }
.Ltmp3:
0x55: {  	v5 =	vnsel vm6, $0xFFFFFFFE, v4;
	(pc) =	sbr.rel @p1 .LBB2_3-.Ltmp3, $3  }
0x56: {  	_ =	sdelay $0x1  }
0x57: {  	s22 =	sadd.s32 $0xFFFFFFF0, s22;
	s26 =	sadd.s32 $0xFFFFFFF0, s26;
	(ifvalue) =	ssetifvalue $0xFFFFFFFF  }
0x58: {  	[tilespmem:s26], [sflag:$0x8] =	stream.indirect_vreg.gather [hbm4b:s1+s16], $0x1, v4, vm0, $0x4038;
	[tilespmem:s28+$0x0] =	vst v5  }
0x59: {  	s2 =	sshrl.u32 s25, $0x3;
	s6 =	rddreg [dreg:$0x2]  }
0x5a: {  	s0 =	sadd.s32 $0x6690, s0;
	s2 =	sadd.s32 s6, s2  }
0x5b: {  	[tilespmem:s0], [sflag:$0x8] =	stream.linear.gather [hbm:s2], $0x1450, $0x38;
	[tilespmem:$0xB7F0] =	vst v63  }
.LBB2_5:
0x5c: {  	p1 =	slt.u32 s24, $0x2  }
0x5d: {  	p2 =	sge.u32 @!p1 s24, s12  }
0x5e: {  	p1 =	por p1, p2  }
.Ltmp4:
0x5f: {  	_ = 	snop;
	(pc) =	sbr.rel @p1 .LBB2_9-.Ltmp4, $1  }
0x60: {  	_ =	sdelay $0x3  }
0x61: {  	s0 =	sadd.s32 $0xFFFFFFFE, s24  }
0x62: {  	s2 =	smulhi.u32 $0xAAAAAAAB, s0;
	_ =	sdelay $0x1  }
0x63: {  	s2 =	sshrl.u32 s2, $0x1  }
0x64: {  	s2 =	smul.u32 $0x3, s2;
	_ =	sdelay $0x1  }
0x65: {  	s0 =	ssub.s32 s0, s2  }
0x66: {  	_ =	swait.ge [sflag:s8], $0x28A0;
	s0 =	smul.u32 $0x1450, s0  }
0x67: {  	p1 =	sne.s32 s24, s11;
	[sflag:s8] =	ssyncset.done $0x0  }
0x68: {  	[sflag:s8] =	ssyncadd.s32 $0xFFFFD760;
	s2 =	sadd.s32 @!p1 $0x154F, s0  }
0x69: {  	[spmem:s13] =	stream.linear.scatter @!p1 [tilespmem:s2], [sflag:$0x1], $0x1, $0x38;
	[tilespmem:$0xB7F0] =	vst v63  }
0x6a: {  	s2 =	simm.s32 @!p1 $0x1  }
0x6b: {  	_ =	swait.ge @!p1 [sflag:s2], $0x1  }
0x6c: {  	s22 =	sshll.u32 s24, $0x4;
	[sflag:s2] =	ssyncset.done @!p1 $0x0  }
0x6d: {  	s25 =	sand.u32 $0x10, s22;
	[sflag:s2] =	ssyncadd.s32 @!p1 $0xFFFFFFFF  }
0x6e: {  	s2 =	sxor.u32 $0x10, s25;
	v4 =	vld [tilespmem:s25+$0x10]  }
0x6f: {  	v5 =	vld [tilespmem:s2+$0x60]  }
0x70: {  	v3 =	vld [tilespmem:$0x80];
	_ =	sdelay $0x2  }
0x71: {  	(v2sf) =	vpush v4, $0x0  }
0x72: {  	(v2sf) =	vpush v5, $0x0  }
0x73: {  	(v2sf) =	vpush v3, $0x0;
	_ =	sdelay $0xc  }
0x74: {  	s6 =	spop (v2sf)  }
0x75: {  	s28 =	spop (v2sf)  }
0x76: {  	s26 =	spop (v2sf)  }
0x77: {  	p2 =	seq.s32 s6, s28;
	p3 =	seq.s32 s26, s6  }
0x78: {  	p3 =	por p2, p3  }
0x79: {  	s6 =	sand.u32 $0x1, s24;
	v4 =	vpsel p3, $0xFFFFFFFF, v4  }
0x7a: {  	s28 =	smul.u32 $0x1450, s6;
	[tilespmem:s25+$0x10] =	vst.msk $0x1, v4  }
0x7b: {  	v4 =	vld [tilespmem:$0x30]  }
0x7c: {  	v5 =	vld [tilespmem:s28+$0x6690]  }
0x7d: {  	v6 =	vld [tilespmem:s25+$0x40];
	_ =	sdelay $0x3  }
0x7e: {  	vm4 =	vmmov vm1;
	v5 =	vadd.f32 v5, v4  }
0x7f: {  	vm5 =	vmmov vm2;
	vm4 =	vmmov @p2 vm2;
	v4 =	vadd.f32 v6, v4  }
0x80: {  	s22 =	sshll.u32 s6, $0x4;
	vm5 =	vmmov @p3 vm1;
	[tilespmem:s28+$0x6690] =	vst.msk vm4, v5  }
0x81: {  	[tilespmem:s22+$0xB7D0] =	vst.msk vm5, v4  }
0x82: {  	v4 =	vld [tilespmem:s28+$0x5230];
	_ =	sdelay $0x3  }
0x83: {  	v5 =	vimm.f32 $0.0e+00  }
0x84: {  	v4 =	vshift.insert v4, v5, s21  }
0x85: {  	s29 =	sor.u32 $0x40, s2  }
0x86: {  	[tilespmem:s29+$0x0] =	vst.msk $0x1, v4  }
0x87: {  	[tilespmem:s28+$0x523F] =	vst.msk $0x1, v5  }
0x88: {  	v4 =	vld [tilespmem:s0+$0x1540];
	_ =	sdelay $0x1  }
0x89: {  	s29 =	smulhi.u32 $0xAAAAAAAB, s20;
	s0 =	simm.s32 $0x1  }
0x8a: {  	s0 =	simm.s32 @!p0 $0x0  }
0x8b: {  	s29 =	sshrl.u32 s29, $0x1;
	s0 =	smul.u32 $0x5140, s0  }
0x8c: {  	s29 =	smul.u32 $0xFFFF0C40, s29;
	v4 =	vshift.insert v4, v1, s21  }
0x8d: {  	s0 =	sshrl.u32 s0, $0x2  }
0x8e: {  	s29 =	sshra.s32 s29, $0x2;
	s30 =	sadd.s32 $0x6690, s0;
	[tilespmem:s2+$0x10] =	vst.msk $0x1, v4  }
0x8f: {  	s6 =	sadd.s32 s29, s19;
	v6 =	vld [tilespmem:s30+$0x0]  }
0x90: {  	v7 =	vld [tilespmem:s6+$0x0];
	_ =	sdelay $0x3  }
0x91: {  	v5 =	vadd.f32 v6, v5  }
0x92: {  	vm4 =	vne.s32 v7, $0xFFFFFFFF  }
0x93: {  	(xrf2) =	vadd.seg.scan.f32 vm4, v5;
	_ =	sdelay $0x3  }
0x94: {  	s31 =	sadd.s32 $0x3DF0, s0;
	v5 =	vperm.xlane v4, v1  }
0x95: {  	v6 =	vld [tilespmem:s31+$0x0]  }
0x96: {  	vm5 =	veq.s32 v7, v3;
	vm6 =	veq.s32 v7, v5  }
0x97: {  	vm7 =	vgt.u32 v7, $0xFFFFFFFD;
	vm6 =	vmor vm6, vm5  }
0x98: {  	vm6 =	vmor vm6, vm7  }
0x99: {  	v9 =	vld [tilespmem:$0xA0];
	v7 =	vsel vm6, $0xFFFFFFFF, v7  }
0x9a: {  	v10 =	vld [tilespmem:$0x90];
	v6 =	vsel vm5, $0x0, v6;
	v8, _, _ =	vpop (xrf2)  }
0x9b: {  	v6 =	vadd.f32 v8, v6  }
0x9c: {  	s0 =	sadd.s32 $0x8F30, s0  }
0x9d: {  	vm4 =	vmand vm4, vm3;
	[tilespmem:s0+$0x0] =	vst v6;
	(ifvalue) =	ssetifvalue $0xFFFFFFFF  }
0x9e: {  	vm6 =	veq.s32 v9, $0x1;
	[hbm4b:s1+s16] =	stream.indirect_vreg.scatter [tilespmem:s0], [sflag:$0x2], $0x1, v7, vm0, $0x4038;
	v7 =	vsel vm4, $0x0, v8;
	[tilespmem:$0xB7F0] =	vst v63  }
0x9f: {  	s29 =	sadd.s32 $0xB7D0, s22;
	s22 =	sadd.s32 $0x10, s6;
	s2 =	simm.s32 $0x0;
	vm4 =	vmor vm6, vm5;
	v6 =	vsel vm5, v8, v10;
	v7 =	vshift.insert v7, v0, s21  }
.LBB2_7:
0xa0: {  	v8 =	vld [tilespmem:s22+$0x0];
	s30 =	sadd.s32 $0x10, s30  }
0xa1: {  	s31 =	sadd.s32 $0x10, s31;
	v9 =	vld [tilespmem:s30+$0x0]  }
0xa2: {  	s2 =	sadd.s32 $0x10, s2;
	v10 =	vld [tilespmem:s31+$0x0]  }
0xa3: {  	p2 =	slt.u32 s2, $0x1440;
	_ =	sdelay $0x2  }
0xa4: {  	v7 =	vadd.f32 v9, v7  }
0xa5: {  	vm5 =	vne.s32 v8, $0xFFFFFFFF  }
0xa6: {  	vm6 =	vmand vm5, vm3;
	(xrf2) =	vadd.seg.scan.f32 vm5, v7;
	_ =	sdelay $0x5  }
0xa7: {  	vm7 =	veq.s32 v8, v5;
	vm5 =	veq.s32 v8, v3  }
0xa8: {  	vm8 =	vgt.u32 v8, $0xFFFFFFFD;
	vm4 =	vmor vm4, vm5;
	vm7 =	vmor vm7, vm5  }
0xa9: {  	vm7 =	vmor vm7, vm8  }
0xaa: {  	v8 =	vsel vm7, $0xFFFFFFFF, v8  }
.Ltmp5:
0xab: {  	v7 =	vsel vm5, $0x0, v10;
	v9, _, _ =	vpop (xrf2);
	(pc) =	sbr.rel @p2 .LBB2_7-.Ltmp5, $4  }
0xac: {  	v6 =	vsel vm5, v9, v6;
	v10 =	vadd.f32 v9, v7;
	v7 =	vsel vm6, $0x0, v9  }
0xad: {  	s0 =	sadd.s32 $0x10, s0;
	v7 =	vshift.insert v7, v0, s21  }
0xae: {  	s22 =	sadd.s32 $0x10, s22;
	[tilespmem:s0+$0x0] =	vst v10;
	(ifvalue) =	ssetifvalue $0xFFFFFFFF  }
0xaf: {  	[hbm4b:s1+s16] =	stream.indirect_vreg.scatter [tilespmem:s0], [sflag:$0x2], $0x1, v8, vm0, $0x4038;
	[tilespmem:$0xB7F0] =	vst v63  }
0xb0: {  	v3 =	vld [tilespmem:s28+$0xA370];
	_ =	sdelay $0x4  }
0xb1: {  	v3 =	vshift.insert v3, v0, s21  }
0xb2: {  	s0 =	simm.s32 $0x30  }
0xb3: {  	[tilespmem:s0+$0x0] =	vst.msk $0x1, v3  }
0xb4: {  	v3 =	vsel vm4, $0x1, v1;
	[tilespmem:$0x90] =	vst v6  }
0xb5: {  	s0 =	sadd.s32 @!p1 $0xA37F, s28;
	[tilespmem:$0xA0] =	vst v3  }
0xb6: {  	[spmem:s14] =	stream.linear.scatter @!p1 [tilespmem:s0], [sflag:$0x1], $0x1, $0x38;
	[tilespmem:$0xB7F0] =	vst v63  }
0xb7: {  	s0 =	simm.s32 @!p1 $0x1  }
0xb8: {  	v3 =	vmctz.xlane @!p1 vm4;
	_ =	swait.ge @!p1 [sflag:s0], $0x1  }
0xb9: {  	(v2sf) =	vpush @!p1 v4, $0x0  }
0xba: {  	(v2sf) =	vpush @!p1 v3, $0x0;
	_ =	sdelay $0xd  }
0xbb: {  	s2 =	spop @!p1 (v2sf)  }
0xbc: {  	s6 =	spop @!p1 (v2sf)  }
0xbd: {  	p2 =	sne.s32 @!p1 s26, s2;
	p3 =	slt.s32 @!p1 s6, $0xF  }
0xbe: {  	[sflag:s0] =	ssyncset.done @!p1 $0x0;
	p2 =	por p2, p1;
	p3 =	por !p3, p1  }
0xbf: {  	[sflag:s0] =	ssyncadd.s32 @!p1 $0xFFFFFFFF;
	v3 =	vimm.s32 @!p2 $0xFFFFFFFF;
	s6 =	simm.s32 @p3 $0xF  }
0xc0: {  	[tilespmem:$0x80] =	vst @!p2 v3;
	s2 =	sadd.s32 @!p1 $0x90, s6  }
0xc1: {  	[spmem:s10] =	stream.linear.scatter @!p1 [tilespmem:s2], [sflag:$0x1], $0x1, $0x38;
	[tilespmem:$0xB7F0] =	vst v63  }
0xc2: {  	_ =	swait.ge @!p1 [sflag:s0], $0x1  }
0xc3: {  	[sflag:s0] =	ssyncset.done @!p1 $0x0  }
0xc4: {  	s2 =	simm.s32 @!p1 $0x80;
	[sflag:s0] =	ssyncadd.s32 @!p1 $0xFFFFFFFF  }
0xc5: {  	[spmem:s15] =	stream.linear.scatter @!p1 [tilespmem:s2], [sflag:$0x1], $0x1, $0x38;
	[tilespmem:$0xB7F0] =	vst v63  }
0xc6: {  	_ =	swait.ge @!p1 [sflag:s0], $0x1  }
0xc7: {  	[sflag:s0] =	ssyncset.done @!p1 $0x0  }
0xc8: {  	[sflag:s0] =	ssyncadd.s32 @!p1 $0xFFFFFFFF;
	(ifvalue) =	ssetifvalue $0xFFFFFFFF;
	v3 =	vld [tilespmem:s25+$0x10];
	_ =	sdelay $0x3  }
.Ltmp6:
0xc9: {  	_ = 	snop;
	(pc) =	sbr.rel .LBB2_9-.Ltmp6, $3  }
0xca: {  	_ =	sdelay $0x1  }
0xcb: {  	(ifvalue) =	ssetifvalue $0xFFFFFFFF  }
0xcc: {  	[hbm4b:s1+s16] =	stream.indirect_vreg.scatter [tilespmem:s29], [sflag:$0x9], $0x1, v3, vm0, $0x4038;
	[tilespmem:$0xB7F0] =	vst v63  }
.LBB2_10:
0xcd: {  	_ =	sfence.sel $0x180000  }
0xce: {  	s0 =	simm.s32 $0x7;
	[bflag:$0x0] =	sbarrier.arrive $0xFFFF  }
0xcf: {  	s26 =	simm.s32 $0x8;
	[sflag:s0] =	ssyncpa.u1 $0x1  }
0xd0: {  	s28 =	simm.s32 $0x9;
	[sflag:s26] =	ssyncpa.u1 $0x1  }
0xd1: {  	[sflag:s28] =	ssyncpa.u1 $0x1  }
0xd2: {  	_ =	sfence.stream.spmem  }
0xd3: {  	s29 =	simm.s32 $0x3;
	[bflag:$0x0] =	sbarrier.arrive $0xFFFF  }
0xd4: {  	s30 =	simm.s32 $0x4;
	[sflag:s29] =	ssyncpa.u1 $0x1  }
0xd5: {  	s31 =	simm.s32 $0x3C;
	s2 =	stileid.u32;
	[sflag:s30] =	ssyncpa.u1 $0x1  }
0xd6: {  	p0 =	sne.s32 s2, $0x0;
	[sflag:s31] =	ssyncpa.u1 $0x1  }
0xd7: {  	s0 =	simm.s32 @p0 $0x1;
	_ =	sfence @p0  }
0xd8: {  	[sflag:s0] =	ssyncpa.u1 @p0 $0x1;
	s0 =	simm.s32 @p0 $0x2  }
0xd9: {  	[sflag:s0] =	ssyncpa.u1 @p0 $0x1  }
0xda: {  	_ =	strace @p0 $0x90000047  }
0xdb: {  	[bflag:$0x2] =	sbarrier.arrive @p0 $0xFFFF  }
0xdc: {  	_ =	shalt @p0  }
.LBB2_11:
0xdd: {  	_ =	sfence.stream.spmem;
	s0 =	simm.s32 $0x5  }
0xde: {  	s2 =	simm.s32 $0x80;
	s3 =	simm.s32 $0xC0;
	[sflag:s0] =	ssyncpa.u1 $0x0  }
0xdf: {  	[tilespmem:s3], [sflag:$0x5] =	stream.linear.gather [spmem:s2], $0x20, $0x38;
	[tilespmem:$0xB7F0] =	vst v63  }
0xe0: {  	s2 =	simm.s32 $0x0;
	s3 =	simm.s32 $0xE0  }
0xe1: {  	[tilespmem:s3], [sflag:$0x5] =	stream.linear.gather [spmem:s2], $0x20, $0x38;
	[tilespmem:$0xB7F0] =	vst v63  }
.Ltmp7:
0xe2: {  	_ = 	snop;
	(pc) =	sbr.rel .LBB2_12-.Ltmp7, $4  }
0xe3: {  	_ =	swait.ge [sflag:s0], $0x40  }
0xe4: {  	[sflag:s0] =	ssyncset.done $0x0  }
0xe5: {  	s31 =	simm.s32 $0x6;
	[sflag:s0] =	ssyncadd.s32 $0xFFFFFFC0  }
0xe6: {  	s4 =	simm.s32 $0x0;
	[sflag:s31] =	ssyncpa.u1 $0x0  }
.LBB2_17:
0xe7: {  	p0 =	sgt.u32 s5, $0x187FF  }
0xe8: {  	s0 =	sshrl.u32 @!p0 s5, $0x3  }
0xe9: {  	s5 =	sand.u32 @!p0 $0x7, s5;
	s6 =	simm.s32 @!p0 $0xB0;
	s0 =	sadd.s32 @!p0 s1, s0  }
0xea: {  	[tilespmem:s6], [sflag:$0x6] =	stream.linear.gather @!p0 [hbm4b:s0+s5], $0x1, $0x38;
	[tilespmem:$0xB7F0] =	vst v63  }
0xeb: {  	s0 =	simm.s32 @!p0 $0x6  }
0xec: {  	_ =	swait.ge @!p0 [sflag:s0], $0x1  }
0xed: {  	[sflag:s0] =	ssyncset.done @!p0 $0x0  }
0xee: {  	[sflag:s0] =	ssyncadd.s32 @!p0 $0xFFFFFFFF  }
0xef: {  	v2 =	vmov @!p0 s4;
	v1 =	vld.msk @!p0 [tilespmem:$0xB0], $0x1;
	_ =	sdelay $0x3  }
0xf0: {  	s0 =	simm.s32 @!p0 $0xE0  }
0xf1: {  	[tilespmem:v2+s0+$0x0], v1 =	vst.idx.ret.add.f32.msk @!p0 $0x1, v1  }
0xf2: {  	[tilespmem:s2+$0xC0] =	vst.msk $0x1, v0  }
0xf3: {  	v0 =	vld.msk [tilespmem:s4+$0xE0], $0x1;
	_ =	sdelay $0x4  }
0xf4: {  	[tilespmem:s2+$0xE0] =	vst.msk $0x1, v0;
	s2 =	sadd.s32 $0x1, s2  }
.LBB2_19:
0xf5: {  	s4 =	sadd.s32 $0x1, s4  }
0xf6: {  	p0 =	sne.s32 s4, $0x20  }
.Ltmp8:
0xf7: {  	_ = 	snop;
	(pc) =	sbr.rel @!p0 .LBB2_20-.Ltmp8, $1  }
0xf8: {  	_ =	sdelay $0x3  }
.LBB2_12:
0xf9: {  	v0 =	vld.msk [tilespmem:s4+$0xC0], $0x1;
	_ =	sdelay $0x4  }
0xfa: {  	(v2sf) =	vpush v0, $0x0;
	_ =	sdelay $0xe  }
0xfb: {  	s5 =	spop (v2sf)  }
0xfc: {  	p0 =	seq.s32 s5, $0xFFFFFFFF  }
.Ltmp9:
0xfd: {  	_ = 	snop;
	(pc) =	sbr.rel @p0 .LBB2_19-.Ltmp9, $1  }
0xfe: {  	_ =	sdelay $0x3  }
0xff: {  	p0 =	slt.s32 s2, $0x1  }
.Ltmp10:
0x100: {  	_ = 	snop;
	(pc) =	sbr.rel @p0 .LBB2_17-.Ltmp10, $1  }
0x101: {  	_ =	sdelay $0x3  }
0x102: {  	s0 =	simm.s32 $0xC0;
	p0 =	por $0x0, $0x0  }
0x103: {  	v1 =	vld.msk @!p0 [tilespmem:s0+$0x0], $0x1;
	_ =	sdelay $0x4  }
0x104: {  	(v2sf) =	vpush @!p0 v1, $0x0;
	_ =	sdelay $0xd  }
0x105: {  	p2 =	sne.s32 s2, $0x1  }
.Ltmp11:
0x106: {  	s6 =	spop @!p0 (v2sf);
	(pc) =	sbr.rel @!p2 .LBB2_16-.Ltmp11, $4  }
0x107: {  	p1 =	seq.s32 @!p0 s5, s6  }
0x108: {  	s6 =	simm.s32 $0x0;
	p1 =	por !p1, p0  }
0x109: {  	s8 =	simm.s32 $0xFFFFFFFF;
	s6 =	simm.s32 @p1 $0xFFFFFFFF  }
0x10a: {  	s7 =	simm.s32 $0x1;
	s6 =	smov.u32 @p0 s8  }
.LBB2_15:
0x10b: {  	s8 =	smov.u32 s6;
	p0 =	sne.s32 s6, $0xFFFFFFFF  }
0x10c: {  	s0 =	sadd.s32 $0x1, s0;
	s6 =	smov.u32 s7;
	s7 =	sadd.s32 $0x1, s7  }
0x10d: {  	p1 =	sne.s32 s2, s7;
	v1 =	vld.msk @!p0 [tilespmem:s0+$0x0], $0x1;
	_ =	sdelay $0x4  }
0x10e: {  	(v2sf) =	vpush @!p0 v1, $0x0;
	_ =	sdelay $0xe  }
.Ltmp12:
0x10f: {  	s9 =	spop @!p0 (v2sf);
	(pc) =	sbr.rel @p1 .LBB2_15-.Ltmp12, $4  }
0x110: {  	p2 =	seq.s32 @!p0 s5, s9  }
0x111: {  	p2 =	por !p2, p0  }
0x112: {  	s6 =	simm.s32 @p2 $0xFFFFFFFF  }
0x113: {  	s6 =	smov.u32 @p0 s8  }
.LBB2_16:
0x114: {  	p0 =	sne.s32 s6, $0xFFFFFFFF  }
.Ltmp13:
0x115: {  	_ = 	snop;
	(pc) =	sbr.rel @!p0 .LBB2_17-.Ltmp13, $1  }
0x116: {  	_ =	sdelay $0x3  }
0x117: {  	v0 =	vld.msk [tilespmem:s4+$0xE0], $0x1;
	v1 =	vmov s6  }
.Ltmp14:
0x118: {  	_ = 	snop;
	(pc) =	sbr.rel .LBB2_19-.Ltmp14, $2  }
0x119: {  	_ =	sdelay $0x2  }
0x11a: {  	[tilespmem:v1+s3+$0x0], v0 =	vst.idx.ret.add.f32.msk $0x1, v0  }
.LBB2_20:
0x11b: {  	p0 =	slt.s32 s2, $0x1  }
.Ltmp15:
0x11c: {  	_ = 	snop;
	(pc) =	sbr.rel @p0 .LBB2_24-.Ltmp15, $3  }
0x11d: {  	_ =	sdelay $0x1  }
0x11e: {  	s0 =	simm.s32 $0x6  }
0x11f: {  	s3 =	simm.s32 $0x0;
	[sflag:s0] =	ssyncpa.u1 $0x1  }
0x120: {  	s0 =	simm.s32 $0xC0  }
0x121: {  	v0 =	vld.msk [tilespmem:s0+$0x0], $0x1;
	_ =	sdelay $0x4  }
0x122: {  	(v2sf) =	vpush v0, $0x0;
	_ =	sdelay $0xe  }
0x123: {  	s2 =	sadd.s32 $0xFFFFFFFF, s2;
	s4 =	spop (v2sf)  }
0x124: {  	p1 =	sne.s32 s2, $0x0;
	p0 =	sgt.u32 s4, $0x187FF  }
.Ltmp16:
0x125: {  	s5 =	sshrl.u32 @!p0 s4, $0x3;
	(pc) =	sbr.rel @!p1 .LBB2_23-.Ltmp16, $4  }
0x126: {  	s0 =	simm.s32 $0xE0;
	s4 =	sand.u32 @!p0 $0x7, s4;
	s5 =	sadd.s32 @!p0 s1, s5  }
0x127: {  	[hbm4b:s5+s4] =	stream.linear.scatter @!p0 [tilespmem:s0], [sflag:$0x5], $0x1, $0x38;
	[tilespmem:$0xB7F0] =	vst v63  }
0x128: {  	s5 =	simm.s32 $0x0  }
0x129: {  	s4 =	simm.s32 $0xC1;
	s5 =	simm.s32 @!p0 $0x4  }
.LBB2_22:
0x12a: {  	v0 =	vld.msk [tilespmem:s4+$0x0], $0x1;
	s2 =	sadd.s32 $0xFFFFFFFF, s2;
	s3 =	sadd.s32 s3, s5  }
0x12b: {  	p0 =	sne.s32 s2, $0x0;
	_ =	sdelay $0x3  }
0x12c: {  	(v2sf) =	vpush v0, $0x0;
	_ =	sdelay $0xe  }
.Ltmp17:
0x12d: {  	s6 =	spop (v2sf);
	(pc) =	sbr.rel @p0 .LBB2_22-.Ltmp17, $4  }
0x12e: {  	s5 =	simm.s32 $0x0;
	p1 =	sgt.u32 s6, $0x187FF  }
0x12f: {  	s0 =	sadd.s32 $0x1, s0;
	s5 =	simm.s32 @!p1 $0x4;
	s7 =	sshrl.u32 @!p1 s6, $0x3  }
0x130: {  	s4 =	sadd.s32 $0x1, s4;
	s6 =	sand.u32 @!p1 $0x7, s6;
	s7 =	sadd.s32 @!p1 s1, s7  }
0x131: {  	[hbm4b:s7+s6] =	stream.linear.scatter @!p1 [tilespmem:s0], [sflag:$0x5], $0x1, $0x38;
	[tilespmem:$0xB7F0] =	vst v63  }
.LBB2_23:
0x132: {  	s0 =	sadd.s32 s3, s5  }
0x133: {  	s3 =	sshrl.u32 s0, $0x2  }
.LBB2_24:
0x134: {  	s0 =	simm.s32 $0x5  }
0x135: {  	_ =	swait.ge [sflag:s0], s3  }
0x136: {  	s1 =	ssub.s32 $0x0, s3;
	[sflag:s0] =	ssyncset.done $0x0  }
0x137: {  	[sflag:s0] =	ssyncadd.s32 s1  }
0x138: {  	[sflag:s0] =	ssyncpa.u1 $0x1  }
0x139: {  	s29 =	simm.s32 $0x1;
	_ =	sfence  }
0x13a: {  	s30 =	simm.s32 $0x2;
	[sflag:s29] =	ssyncpa.u1 $0x1  }
0x13b: {  	[sflag:s30] =	ssyncpa.u1 $0x1  }
0x13c: {  	_ =	strace $0x90000047  }
0x13d: {  	[bflag:$0x2] =	sbarrier.arrive $0xFFFF  }
0x13e: {  	s31 =	rddreg [dreg:$0x1]  }
0x13f: {  	s0 =	sadd.s32 $0x100000, s31  }
0x140: {  	[sflag:s0] =	ssyncadd.tile.s32 $0x1;
	_ =	shalt  }
.Lfunc_end2:
_tile_overlayer_lowered:
.L_overlay_start_2:
0x141: {  	(tag) =	ssettag $0x2  }
0x142: {  	s0 =	rddreg [dreg:$0x0];
	s2 =	stileid.u32  }
0x143: {  	s1 =	rddreg [dreg:$0x1];
	p0 =	sne.s32 s2, $0x0  }
0x144: {  	s3 =	rddreg [dreg:$0x2];
	[bflag:$0x3] =	sbarrier.arrive $0xFFFF;
	s2 =	simm.s32 @!p0 $0x1C01  }
0x145: {  	[timem:s3], [sflag:s2] =	dma.local @!p0 [hbm:s0], s1  }
0x146: {  	s0 =	simm.s32 @!p0 $0x1  }
0x147: {  	_ =	swait.ge @!p0 [sflag:s0], s1  }
0x148: {  	s1 =	ssub.s32 @!p0 $0x0, s1;
	[sflag:s0] =	ssyncset.done @!p0 $0x0  }
0x149: {  	[sflag:s0] =	ssyncadd.s32 @!p0 s1  }
0x14a: {  	[bflag:$0x3] =	sbarrier.arrive $0xFFFF  }
0x14b: {  	_ =	shalt  }

</sc_bundles>
